<compile_context>
chip_gen: v7x
topology: tpu7x:2x2x1
jax: 0.10.2.dev20260603
libtpu: 0.0.44.dev20260713+nightly
codegen_flags: <defaults>
</compile_context>

<pallas_src>
import functools

import jax
import jax.numpy as jnp
from jax import lax
from jax.experimental import pallas as pl
from jax.experimental.pallas import tpu as pltpu
from jax.experimental.pallas import tpu_sc as plsc

F32 = jnp.float32
BF16 = jnp.bfloat16

H = 16
H2O_RATIO = 0.2
QB = 256
IB = 256
RB = 256



def _proj_body(hsb_ref, wb_ref, b_ref, out_ref, *, sfact):
    acc = jnp.dot(hsb_ref[...], wb_ref[...], preferred_element_type=F32)
    out_ref[...] = (acc + b_ref[...]) * F32(sfact)


def _proj_heads_body(hsb_ref, wb_ref, b_ref, out_ref):
    hd = out_ref.shape[-1]
    acc = jnp.dot(hsb_ref[...], wb_ref[...], preferred_element_type=F32)
    val = acc + b_ref[...]
    for h in range(H):
        out_ref[h] = val[:, h * hd:(h + 1) * hd]


def _attn_body(q_ref, k_ref, v_ref, o_ref, aggr_ref):
    q = q_ref[...].astype(BF16)
    k = k_ref[0].astype(BF16)
    v = v_ref[0].astype(BF16)
    s = lax.dot_general(q, k, (((1,), (1,)), ((), ())),
                        preferred_element_type=F32)
    rows = lax.broadcasted_iota(jnp.int32, s.shape, 0)
    cols = lax.broadcasted_iota(jnp.int32, s.shape, 1)
    s = s + jnp.where(cols > rows, F32(-10000.0), F32(0.0))
    m = jnp.max(s, axis=1, keepdims=True)
    e = jnp.exp(s - m)
    p = e / jnp.sum(e, axis=1, keepdims=True)
    o_ref[...] = jnp.dot(p.astype(BF16), v, preferred_element_type=F32)
    aggr_ref[0] = jnp.sum(p, axis=0, keepdims=True)


def _rank_body(acol_ref, arow_ref, rank_ref):
    ib = pl.program_id(1)
    ai = acol_ref[0]
    aj = arow_ref[0]
    shape = (ai.shape[0], aj.shape[1])
    i_idx = lax.broadcasted_iota(jnp.int32, shape, 0) + ib * IB
    j_idx = lax.broadcasted_iota(jnp.int32, shape, 1)
    beats = (ai > aj) | ((ai == aj) & (i_idx < j_idx))
    part = jnp.sum(beats.astype(jnp.int32), axis=0, keepdims=True)

    @pl.when(ib == 0)
    def _():
        rank_ref[0] = part

    @pl.when(ib > 0)
    def _():
        rank_ref[0] = rank_ref[0] + part


def _oproj_body(o_ref, wt_ref, b_ref, out_ref):
    out_ref[...] = jnp.dot(o_ref[...].astype(BF16), wt_ref[...].astype(BF16),
                           preferred_element_type=F32) + b_ref[...]



def _sc_select_gather(rank1d, aggr1d, k2d, v2d, T, hh):
    hd = k2d.shape[1]
    hh_pad = (hh + 15) // 16 * 16
    mesh = plsc.VectorSubcoreMesh(core_axis_name="c", subcore_axis_name="s")
    chunks = []
    off = 0
    while off < hh_pad:
        ln = min(128, hh_pad - off)
        chunks.append((off, ln))
        off += ln

    @functools.partial(
        pl.kernel, mesh=mesh,
        compiler_params=pltpu.CompilerParams(needs_layout_passes=False),
        out_type=[
            jax.ShapeDtypeStruct((2, H, hh_pad, hd), F32),
            jax.ShapeDtypeStruct((H, hh_pad), F32),
        ],
        scratch_types=[
            pltpu.VMEM((T,), jnp.int32),
            pltpu.VMEM((T,), F32),
            pltpu.VMEM((hh_pad,), jnp.int32),
            pltpu.VMEM((hh_pad,), F32),
            pltpu.VMEM((128,), jnp.int32),
            pltpu.VMEM((hh_pad, hd), F32),
            pltpu.SemaphoreType.DMA,
        ],
    )
    def sc_kernel(rank_hbm, aggr_hbm, k_hbm, v_hbm, rows_out, acc_out,
                  rank_v, aggr_v, tidx_v, tval_v, cidx_v, rows_v, sem):
        wid = lax.axis_index("s") * 2 + lax.axis_index("c")
        h = wid // 2
        j = wid % 2
        base = h * T
        pltpu.sync_copy(rank_hbm.at[pl.ds(h * T, T)], rank_v)
        pltpu.sync_copy(aggr_hbm.at[pl.ds(h * T, T)], aggr_v)

        zero16i = jnp.zeros((16,), jnp.int32)
        for z in range(hh_pad // 16):
            tidx_v[pl.ds(z * 16, 16)] = zero16i

        hh_i = jnp.int32(hh)

        def scat(i, carry):
            r = rank_v[pl.ds(i * 16, 16)]
            val = aggr_v[pl.ds(i * 16, 16)]
            gidx = lax.iota(jnp.int32, 16) + (i * 16 + base)
            rc = jnp.where(r < hh_i, r, hh_i)
            plsc.store_scatter(tidx_v, [rc], gidx)
            plsc.store_scatter(tval_v, [rc], val)
            return carry

        lax.fori_loop(0, T // 16, scat, 0)

        for off, ln in chunks:
            for z in range(ln // 16):
                cidx_v[pl.ds(z * 16, 16)] = tidx_v[pl.ds(off + z * 16, 16)]
            cslice = cidx_v.at[pl.ds(0, ln)]
            rslice = rows_v.at[pl.ds(off, ln)]

            @pl.when(j == 0)
            def _():
                pltpu.async_copy(k_hbm.at[cslice], rslice, sem).wait()

            @pl.when(j == 1)
            def _():
                pltpu.async_copy(v_hbm.at[cslice], rslice, sem).wait()

        pltpu.sync_copy(rows_v, rows_out.at[j, h])

        @pl.when(j == 0)
        def _():
            pltpu.sync_copy(tval_v, acc_out.at[h])

    return sc_kernel(rank1d, aggr1d, k2d, v2d)



def kernel(hidden_states, Wq, bq, Wk, bk, Wv, bv, Wout, bout):
    Bsz, T, D = hidden_states.shape
    hd = D // H
    hh = int(T * H2O_RATIO)
    hh_pad = (hh + 15) // 16 * 16
    hs = hidden_states.reshape(T, D)
    nqb, nib, nrb = T // QB, T // IB, T // RB

    hs_bf = hs.astype(BF16)

    def _proj(wt_bf, b, sfact):
        return pl.pallas_call(
            functools.partial(_proj_body, sfact=sfact),
            in_specs=[
                pl.BlockSpec((T, D), lambda: (0, 0)),
                pl.BlockSpec((D, D), lambda: (0, 0)),
                pl.BlockSpec((1, D), lambda: (0, 0)),
            ],
            out_specs=pl.BlockSpec((T, D), lambda: (0, 0)),
            out_shape=jax.ShapeDtypeStruct((T, D), F32),
        )(hs_bf, wt_bf, b)

    q2d = _proj(Wq.T.astype(BF16), bq.reshape(1, D), hd ** (-0.5))

    def _proj_heads(wt_bf, b):
        return pl.pallas_call(
            _proj_heads_body,
            in_specs=[
                pl.BlockSpec((T, D), lambda: (0, 0)),
                pl.BlockSpec((D, D), lambda: (0, 0)),
                pl.BlockSpec((1, D), lambda: (0, 0)),
            ],
            out_specs=pl.BlockSpec((H, T, hd), lambda: (0, 0, 0)),
            out_shape=jax.ShapeDtypeStruct((H, T, hd), F32),
        )(hs_bf, wt_bf, b)

    k_heads = _proj_heads(Wk.T.astype(BF16), bk.reshape(1, D))
    v_heads = _proj_heads(Wv.T.astype(BF16), bv.reshape(1, D))

    o_merged, aggr = pl.pallas_call(
        _attn_body,
        grid=(H,),
        in_specs=[
            pl.BlockSpec((T, hd), lambda h: (0, h)),
            pl.BlockSpec((1, T, hd), lambda h: (h, 0, 0)),
            pl.BlockSpec((1, T, hd), lambda h: (h, 0, 0)),
        ],
        out_specs=[
            pl.BlockSpec((T, hd), lambda h: (0, h)),
            pl.BlockSpec((1, 1, T), lambda h: (h, 0, 0)),
        ],
        out_shape=[
            jax.ShapeDtypeStruct((T, D), F32),
            jax.ShapeDtypeStruct((H, 1, T), F32),
        ],
    )(q2d, k_heads, v_heads)

    rank = pl.pallas_call(
        _rank_body,
        grid=(H, nib),
        in_specs=[
            pl.BlockSpec((1, IB, 1), lambda h, ib: (h, ib, 0)),
            pl.BlockSpec((1, 1, T), lambda h, ib: (h, 0, 0)),
        ],
        out_specs=pl.BlockSpec((1, 1, T), lambda h, ib: (h, 0, 0)),
        out_shape=jax.ShapeDtypeStruct((H, 1, T), jnp.int32),
    )(aggr.reshape(H, T, 1), aggr)

    attn_out = pl.pallas_call(
        _oproj_body,
        grid=(nrb,),
        in_specs=[
            pl.BlockSpec((RB, D), lambda r: (r, 0)),
            pl.BlockSpec((D, D), lambda r: (0, 0)),
            pl.BlockSpec((1, D), lambda r: (0, 0)),
        ],
        out_specs=pl.BlockSpec((RB, D), lambda r: (r, 0)),
        out_shape=jax.ShapeDtypeStruct((T, D), F32),
    )(o_merged, Wout.T, bout.reshape(1, D))

    rows, acc_pad = _sc_select_gather(
        rank.reshape(H * T), aggr.reshape(H * T),
        k_heads.reshape(H * T, hd), v_heads.reshape(H * T, hd), T, hh)

    past_k = jnp.concatenate(
        [rows[0, :, :hh][None], jnp.zeros((1, H, 1, hd), F32)], axis=2)
    past_v = jnp.concatenate(
        [rows[1, :, :hh][None], jnp.zeros((1, H, 1, hd), F32)], axis=2)
    acc = acc_pad[:, :hh].T
    return attn_out.reshape(Bsz, T, D), past_k, past_v, acc

# --- scband reference (transcript-rebuilt; emitter-appended) ---
"""Pipeline reference for scband-self-attention-86079734547192 (READ-ONLY COPY).

The authoritative reference and input builder live on the scoring server;
editing this copy changes nothing except your own understanding.
"""

import jax, jax.numpy as jnp
import numpy as np

EMBED_DIM = 2048
NUM_HEADS = 16
H2O_RATIO = 0.2
B, T = 1, 2048


def setup_inputs(seed: int = 0) -> dict:
    key = jax.random.key(seed)
    ks = jax.random.split(key, 5)
    D = EMBED_DIM
    s = 1.0 / np.sqrt(D)
    inp = {'hidden_states': jax.random.normal(ks[0], (B, T, D), dtype=jnp.float32)}
    names = ['q', 'k', 'v', 'out']
    for i, n in enumerate(names):
        inp['W' + n] = jax.random.normal(ks[1 + i], (D, D), dtype=jnp.float32) * s
        inp['b' + n] = jnp.zeros((D,), dtype=jnp.float32)
    return inp


def reference(hidden_states, Wq, bq, Wk, bk, Wv, bv, Wout, bout):
    Bsz, Tlen, D = hidden_states.shape
    H = NUM_HEADS
    hd = D // H
    scaling = hd ** (-0.5)
    q = (hidden_states @ Wq.T + bq) * scaling
    k = hidden_states @ Wk.T + bk
    v = hidden_states @ Wv.T + bv

    def shp(x):
        return x.reshape(Bsz, Tlen, H, hd).transpose(0, 2, 1, 3).reshape(Bsz * H, Tlen, hd)

    q = shp(q)
    k = shp(k)
    v = shp(v)
    attn = jnp.einsum('bqd,bkd->bqk', q, k)
    mask = jnp.triu(jnp.ones((Tlen, Tlen), dtype=attn.dtype), k=1) * (-10000.0)
    attn = attn + mask[None, :, :]
    attn = jax.nn.softmax(attn.astype(jnp.float32), axis=-1)
    attn_out = jnp.einsum('bqk,bkd->bqd', attn, v)
    attn_out = attn_out.reshape(Bsz, H, Tlen, hd).transpose(0, 2, 1, 3).reshape(Bsz, Tlen, D)
    attn_out = attn_out @ Wout.T + bout
    # heavy-hitter (H2O) KV-cache pruning, prefill (i == 0, acc is None) path
    hh = int(Tlen * H2O_RATIO)
    aggr = jnp.sum(attn, axis=1)  # [B*H, T] aggregated attention mass per key
    top_vals, top_idx = jax.lax.top_k(aggr, hh)
    bh = jnp.arange(Bsz * H)[:, None]
    k_hh = k[bh, top_idx]  # sparse gather of heavy-hitter keys [B*H, hh, hd]
    v_hh = v[bh, top_idx]
    acc = top_vals.T  # [hh, B*H], equals aggr gathered at top_idx
    zslot = jnp.zeros((Bsz, H, 1, hd), dtype=attn_out.dtype)
    past_k = jnp.concatenate([k_hh.reshape(Bsz, H, hh, hd), zslot], axis=2)
    past_v = jnp.concatenate([v_hh.reshape(Bsz, H, hh, hd), zslot], axis=2)
    return attn_out, past_k, past_v, acc

if __name__ == "__main__":
    import jax
    _d = setup_inputs()
    print(jax.jit(kernel)(*tuple(_d.values())))

</pallas_src>

<mosaic_0001>
#map = affine_map<(d0, d1) -> (0)>
#map1 = affine_map<(d0, d1) -> (0, 0)>
#map2 = affine_map<(d0, d1) -> (0, 0, 0, 0)>
module attributes {stable_mosaic.version = 14 : i64} {
  func.func @sc_kernel(%arg0: i32, %arg1: i32, %arg2: memref<32768xi32, #tpu.memory_space<hbm>>, %arg3: memref<32768xf32, #tpu.memory_space<hbm>>, %arg4: memref<32768x128xf32, #tpu.memory_space<hbm>>, %arg5: memref<32768x128xf32, #tpu.memory_space<hbm>>, %arg6: memref<2x16x416x128xf32, #tpu.memory_space<hbm>>, %arg7: memref<16x416xf32, #tpu.memory_space<hbm>>, %arg8: memref<2048xi32, #tpu.memory_space<vmem>>, %arg9: memref<2048xf32, #tpu.memory_space<vmem>>, %arg10: memref<416xi32, #tpu.memory_space<vmem>>, %arg11: memref<416xf32, #tpu.memory_space<vmem>>, %arg12: memref<128xi32, #tpu.memory_space<vmem>>, %arg13: memref<416x128xf32, #tpu.memory_space<vmem>>, %arg14: memref<!tpu.dma_semaphore, #tpu.memory_space<semaphore_mem>>) attributes {dimension_semantics = [#tpu.dimension_semantics<core_parallel>, #tpu.dimension_semantics<subcore_parallel>], iteration_bounds = array<i64: 2, 16>, scalar_prefetch = 0 : i64, scratch_operands = 7 : i64, tpu.core_type = #tpu.core_type<sc_vector_subcore>, window_params = [{transform_indices = #map}, {transform_indices = #map}, {transform_indices = #map1}, {transform_indices = #map1}, {transform_indices = #map2}, {transform_indices = #map1}]} {
    %mul3A = arith.constant 2 : i32
    %mul3A_0 = arith.muli %arg1, %mul3A : i32
    %add3A = arith.addi %mul3A_0, %arg0 : i32
    %jit3A = arith.constant 2 : i32
    %div3A = arith.divsi %add3A, %jit3A : i32
    %sign3A = arith.constant 0 : i32
    %sign3A_1 = arith.cmpi sgt, %add3A, %sign3A : i32
    %sign3A_2 = arith.extui %sign3A_1 : i1 to i32
    %sign3A_3 = arith.constant 0 : i32
    %sign3A_4 = arith.cmpi slt, %add3A, %sign3A_3 : i32
    %sign3A_5 = arith.extui %sign3A_4 : i1 to i32
    %sign3A_6 = arith.subi %sign3A_2, %sign3A_5 : i32
    %sign3A_7 = arith.constant 0 : i32
    %sign3A_8 = arith.cmpi sgt, %jit3A, %sign3A_7 : i32
    %sign3A_9 = arith.extui %sign3A_8 : i1 to i32
    %sign3A_10 = arith.constant 0 : i32
    %sign3A_11 = arith.cmpi slt, %jit3A, %sign3A_10 : i32
    %sign3A_12 = arith.extui %sign3A_11 : i1 to i32
    %sign3A_13 = arith.subi %sign3A_9, %sign3A_12 : i32
    %ne3A = arith.cmpi ne, %sign3A_6, %sign3A_13 : i32
    %rem3A = arith.remsi %add3A, %jit3A : i32
    %ne3A_14 = arith.constant 0 : i32
    %ne3A_15 = arith.cmpi ne, %rem3A, %ne3A_14 : i32
    %and3A = arith.andi %ne3A, %ne3A_15 : i1
    %sub3A = arith.constant 1 : i32
    %sub3A_16 = arith.subi %div3A, %sub3A : i32
    %select_n3A = arith.select %and3A, %sub3A_16, %div3A : i32
    %jit3A_17 = arith.constant 2 : i32
    %eq3A = arith.constant 0 : i32
    %eq3A_18 = arith.cmpi eq, %jit3A_17, %eq3A : i32
    %jit3A_19 = arith.constant 1 : i32
    %select_n3A_20 = arith.select %eq3A_18, %jit3A_19, %jit3A_17 : i32
    %rem3A_21 = arith.remsi %add3A, %select_n3A_20 : i32
    %ne3A_22 = arith.constant 0 : i32
    %ne3A_23 = arith.cmpi ne, %rem3A_21, %ne3A_22 : i32
    %lt3A = arith.constant 0 : i32
    %lt3A_24 = arith.cmpi slt, %rem3A_21, %lt3A : i32
    %lt3A_25 = arith.constant 0 : i32
    %lt3A_26 = arith.cmpi slt, %select_n3A_20, %lt3A_25 : i32
    %ne3A_27 = arith.xori %lt3A_24, %lt3A_26 : i1
    %and3A_28 = arith.andi %ne3A_27, %ne3A_23 : i1
    %add3A_29 = arith.addi %rem3A_21, %select_n3A_20 : i32
    %select_n3A_30 = arith.select %and3A_28, %add3A_29, %rem3A_21 : i32
    %mul3A_31 = arith.constant 2048 : i32
    %mul3A_32 = arith.muli %select_n3A, %mul3A_31 : i32
    %mul3A_33 = arith.constant 2048 : i32
    %mul3A_34 = arith.muli %select_n3A, %mul3A_33 : i32
    "tpu.region"() ({
      %run_scoped3A = tpu.sem_alloc : memref<!tpu.dma_semaphore, #tpu.memory_space<semaphore_mem>>
      %dma_start3A = tpu.memref_slice %arg2[%mul3A_34] : memref<32768xi32, #tpu.memory_space<hbm>> -> memref<2048xi32, #tpu.memory_space<hbm>>
      %dma_start3A_241 = tpu.memref_slice %arg2[%mul3A_34] : memref<32768xi32, #tpu.memory_space<hbm>> -> memref<2048xi32, #tpu.memory_space<hbm>>
      tpu.enqueue_dma source(%dma_start3A_241 : memref<2048xi32, #tpu.memory_space<hbm>>) target(%arg8 : memref<2048xi32, #tpu.memory_space<vmem>>) target_semaphore(%run_scoped3A : memref<!tpu.dma_semaphore, #tpu.memory_space<semaphore_mem>>)
      %dma_wait3A = tpu.memref_slice %arg2[%mul3A_34] : memref<32768xi32, #tpu.memory_space<hbm>> -> memref<2048xi32, #tpu.memory_space<hbm>>
      %dma_wait3A_242 = tpu.memref_slice %arg2[%mul3A_34] : memref<32768xi32, #tpu.memory_space<hbm>> -> memref<2048xi32, #tpu.memory_space<hbm>>
      tpu.wait_dma2 semaphore(%run_scoped3A : memref<!tpu.dma_semaphore, #tpu.memory_space<semaphore_mem>>) src(%dma_wait3A_242 : memref<2048xi32, #tpu.memory_space<hbm>>) dst(%arg8 : memref<2048xi32, #tpu.memory_space<vmem>>)
      tpu.yield
    }) : () -> ()
    %mul3A_35 = arith.constant 2048 : i32
    %mul3A_36 = arith.muli %select_n3A, %mul3A_35 : i32
    "tpu.region"() ({
      %run_scoped3A = tpu.sem_alloc : memref<!tpu.dma_semaphore, #tpu.memory_space<semaphore_mem>>
      %dma_start3A = tpu.memref_slice %arg3[%mul3A_36] : memref<32768xf32, #tpu.memory_space<hbm>> -> memref<2048xf32, #tpu.memory_space<hbm>>
      %dma_start3A_241 = tpu.memref_slice %arg3[%mul3A_36] : memref<32768xf32, #tpu.memory_space<hbm>> -> memref<2048xf32, #tpu.memory_space<hbm>>
      tpu.enqueue_dma source(%dma_start3A_241 : memref<2048xf32, #tpu.memory_space<hbm>>) target(%arg9 : memref<2048xf32, #tpu.memory_space<vmem>>) target_semaphore(%run_scoped3A : memref<!tpu.dma_semaphore, #tpu.memory_space<semaphore_mem>>)
      %dma_wait3A = tpu.memref_slice %arg3[%mul3A_36] : memref<32768xf32, #tpu.memory_space<hbm>> -> memref<2048xf32, #tpu.memory_space<hbm>>
      %dma_wait3A_242 = tpu.memref_slice %arg3[%mul3A_36] : memref<32768xf32, #tpu.memory_space<hbm>> -> memref<2048xf32, #tpu.memory_space<hbm>>
      tpu.wait_dma2 semaphore(%run_scoped3A : memref<!tpu.dma_semaphore, #tpu.memory_space<semaphore_mem>>) src(%dma_wait3A_242 : memref<2048xf32, #tpu.memory_space<hbm>>) dst(%arg9 : memref<2048xf32, #tpu.memory_space<vmem>>)
      tpu.yield
    }) : () -> ()
    %broadcast_in_dim3A = arith.constant 0 : i32
    %broadcast_in_dim3A_37 = vector.broadcast %broadcast_in_dim3A : i32 to vector<16xi32>
    %swap3A = arith.constant 0 : index
    %swap3A_38 = tpu.vector_load %arg10[%swap3A] {strides = array<i32>} : memref<416xi32, #tpu.memory_space<vmem>>, vector<16xi32>,
    tpu.vector_store %arg10[%swap3A], %broadcast_in_dim3A_37 {strides = array<i32>} : memref<416xi32, #tpu.memory_space<vmem>>, vector<16xi32>,
    %swap3A_39 = arith.constant 16 : index
    %swap3A_40 = tpu.vector_load %arg10[%swap3A_39] {strides = array<i32>} : memref<416xi32, #tpu.memory_space<vmem>>, vector<16xi32>,
    tpu.vector_store %arg10[%swap3A_39], %broadcast_in_dim3A_37 {strides = array<i32>} : memref<416xi32, #tpu.memory_space<vmem>>, vector<16xi32>,
    %swap3A_41 = arith.constant 32 : index
    %swap3A_42 = tpu.vector_load %arg10[%swap3A_41] {strides = array<i32>} : memref<416xi32, #tpu.memory_space<vmem>>, vector<16xi32>,
    tpu.vector_store %arg10[%swap3A_41], %broadcast_in_dim3A_37 {strides = array<i32>} : memref<416xi32, #tpu.memory_space<vmem>>, vector<16xi32>,
    %swap3A_43 = arith.constant 48 : index
    %swap3A_44 = tpu.vector_load %arg10[%swap3A_43] {strides = array<i32>} : memref<416xi32, #tpu.memory_space<vmem>>, vector<16xi32>,
    tpu.vector_store %arg10[%swap3A_43], %broadcast_in_dim3A_37 {strides = array<i32>} : memref<416xi32, #tpu.memory_space<vmem>>, vector<16xi32>,
    %swap3A_45 = arith.constant 64 : index
    %swap3A_46 = tpu.vector_load %arg10[%swap3A_45] {strides = array<i32>} : memref<416xi32, #tpu.memory_space<vmem>>, vector<16xi32>,
    tpu.vector_store %arg10[%swap3A_45], %broadcast_in_dim3A_37 {strides = array<i32>} : memref<416xi32, #tpu.memory_space<vmem>>, vector<16xi32>,
    %swap3A_47 = arith.constant 80 : index
    %swap3A_48 = tpu.vector_load %arg10[%swap3A_47] {strides = array<i32>} : memref<416xi32, #tpu.memory_space<vmem>>, vector<16xi32>,
    tpu.vector_store %arg10[%swap3A_47], %broadcast_in_dim3A_37 {strides = array<i32>} : memref<416xi32, #tpu.memory_space<vmem>>, vector<16xi32>,
    %swap3A_49 = arith.constant 96 : index
    %swap3A_50 = tpu.vector_load %arg10[%swap3A_49] {strides = array<i32>} : memref<416xi32, #tpu.memory_space<vmem>>, vector<16xi32>,
    tpu.vector_store %arg10[%swap3A_49], %broadcast_in_dim3A_37 {strides = array<i32>} : memref<416xi32, #tpu.memory_space<vmem>>, vector<16xi32>,
    %swap3A_51 = arith.constant 112 : index
    %swap3A_52 = tpu.vector_load %arg10[%swap3A_51] {strides = array<i32>} : memref<416xi32, #tpu.memory_space<vmem>>, vector<16xi32>,
    tpu.vector_store %arg10[%swap3A_51], %broadcast_in_dim3A_37 {strides = array<i32>} : memref<416xi32, #tpu.memory_space<vmem>>, vector<16xi32>,
    %swap3A_53 = arith.constant 128 : index
    %swap3A_54 = tpu.vector_load %arg10[%swap3A_53] {strides = array<i32>} : memref<416xi32, #tpu.memory_space<vmem>>, vector<16xi32>,
    tpu.vector_store %arg10[%swap3A_53], %broadcast_in_dim3A_37 {strides = array<i32>} : memref<416xi32, #tpu.memory_space<vmem>>, vector<16xi32>,
    %swap3A_55 = arith.constant 144 : index
    %swap3A_56 = tpu.vector_load %arg10[%swap3A_55] {strides = array<i32>} : memref<416xi32, #tpu.memory_space<vmem>>, vector<16xi32>,
    tpu.vector_store %arg10[%swap3A_55], %broadcast_in_dim3A_37 {strides = array<i32>} : memref<416xi32, #tpu.memory_space<vmem>>, vector<16xi32>,
    %swap3A_57 = arith.constant 160 : index
    %swap3A_58 = tpu.vector_load %arg10[%swap3A_57] {strides = array<i32>} : memref<416xi32, #tpu.memory_space<vmem>>, vector<16xi32>,
    tpu.vector_store %arg10[%swap3A_57], %broadcast_in_dim3A_37 {strides = array<i32>} : memref<416xi32, #tpu.memory_space<vmem>>, vector<16xi32>,
    %swap3A_59 = arith.constant 176 : index
    %swap3A_60 = tpu.vector_load %arg10[%swap3A_59] {strides = array<i32>} : memref<416xi32, #tpu.memory_space<vmem>>, vector<16xi32>,
    tpu.vector_store %arg10[%swap3A_59], %broadcast_in_dim3A_37 {strides = array<i32>} : memref<416xi32, #tpu.memory_space<vmem>>, vector<16xi32>,
    %swap3A_61 = arith.constant 192 : index
    %swap3A_62 = tpu.vector_load %arg10[%swap3A_61] {strides = array<i32>} : memref<416xi32, #tpu.memory_space<vmem>>, vector<16xi32>,
    tpu.vector_store %arg10[%swap3A_61], %broadcast_in_dim3A_37 {strides = array<i32>} : memref<416xi32, #tpu.memory_space<vmem>>, vector<16xi32>,
    %swap3A_63 = arith.constant 208 : index
    %swap3A_64 = tpu.vector_load %arg10[%swap3A_63] {strides = array<i32>} : memref<416xi32, #tpu.memory_space<vmem>>, vector<16xi32>,
    tpu.vector_store %arg10[%swap3A_63], %broadcast_in_dim3A_37 {strides = array<i32>} : memref<416xi32, #tpu.memory_space<vmem>>, vector<16xi32>,
    %swap3A_65 = arith.constant 224 : index
    %swap3A_66 = tpu.vector_load %arg10[%swap3A_65] {strides = array<i32>} : memref<416xi32, #tpu.memory_space<vmem>>, vector<16xi32>,
    tpu.vector_store %arg10[%swap3A_65], %broadcast_in_dim3A_37 {strides = array<i32>} : memref<416xi32, #tpu.memory_space<vmem>>, vector<16xi32>,
    %swap3A_67 = arith.constant 240 : index
    %swap3A_68 = tpu.vector_load %arg10[%swap3A_67] {strides = array<i32>} : memref<416xi32, #tpu.memory_space<vmem>>, vector<16xi32>,
    tpu.vector_store %arg10[%swap3A_67], %broadcast_in_dim3A_37 {strides = array<i32>} : memref<416xi32, #tpu.memory_space<vmem>>, vector<16xi32>,
    %swap3A_69 = arith.constant 256 : index
    %swap3A_70 = tpu.vector_load %arg10[%swap3A_69] {strides = array<i32>} : memref<416xi32, #tpu.memory_space<vmem>>, vector<16xi32>,
    tpu.vector_store %arg10[%swap3A_69], %broadcast_in_dim3A_37 {strides = array<i32>} : memref<416xi32, #tpu.memory_space<vmem>>, vector<16xi32>,
    %swap3A_71 = arith.constant 272 : index
    %swap3A_72 = tpu.vector_load %arg10[%swap3A_71] {strides = array<i32>} : memref<416xi32, #tpu.memory_space<vmem>>, vector<16xi32>,
    tpu.vector_store %arg10[%swap3A_71], %broadcast_in_dim3A_37 {strides = array<i32>} : memref<416xi32, #tpu.memory_space<vmem>>, vector<16xi32>,
    %swap3A_73 = arith.constant 288 : index
    %swap3A_74 = tpu.vector_load %arg10[%swap3A_73] {strides = array<i32>} : memref<416xi32, #tpu.memory_space<vmem>>, vector<16xi32>,
    tpu.vector_store %arg10[%swap3A_73], %broadcast_in_dim3A_37 {strides = array<i32>} : memref<416xi32, #tpu.memory_space<vmem>>, vector<16xi32>,
    %swap3A_75 = arith.constant 304 : index
    %swap3A_76 = tpu.vector_load %arg10[%swap3A_75] {strides = array<i32>} : memref<416xi32, #tpu.memory_space<vmem>>, vector<16xi32>,
    tpu.vector_store %arg10[%swap3A_75], %broadcast_in_dim3A_37 {strides = array<i32>} : memref<416xi32, #tpu.memory_space<vmem>>, vector<16xi32>,
    %swap3A_77 = arith.constant 320 : index
    %swap3A_78 = tpu.vector_load %arg10[%swap3A_77] {strides = array<i32>} : memref<416xi32, #tpu.memory_space<vmem>>, vector<16xi32>,
    tpu.vector_store %arg10[%swap3A_77], %broadcast_in_dim3A_37 {strides = array<i32>} : memref<416xi32, #tpu.memory_space<vmem>>, vector<16xi32>,
    %swap3A_79 = arith.constant 336 : index
    %swap3A_80 = tpu.vector_load %arg10[%swap3A_79] {strides = array<i32>} : memref<416xi32, #tpu.memory_space<vmem>>, vector<16xi32>,
    tpu.vector_store %arg10[%swap3A_79], %broadcast_in_dim3A_37 {strides = array<i32>} : memref<416xi32, #tpu.memory_space<vmem>>, vector<16xi32>,
    %swap3A_81 = arith.constant 352 : index
    %swap3A_82 = tpu.vector_load %arg10[%swap3A_81] {strides = array<i32>} : memref<416xi32, #tpu.memory_space<vmem>>, vector<16xi32>,
    tpu.vector_store %arg10[%swap3A_81], %broadcast_in_dim3A_37 {strides = array<i32>} : memref<416xi32, #tpu.memory_space<vmem>>, vector<16xi32>,
    %swap3A_83 = arith.constant 368 : index
    %swap3A_84 = tpu.vector_load %arg10[%swap3A_83] {strides = array<i32>} : memref<416xi32, #tpu.memory_space<vmem>>, vector<16xi32>,
    tpu.vector_store %arg10[%swap3A_83], %broadcast_in_dim3A_37 {strides = array<i32>} : memref<416xi32, #tpu.memory_space<vmem>>, vector<16xi32>,
    %swap3A_85 = arith.constant 384 : index
    %swap3A_86 = tpu.vector_load %arg10[%swap3A_85] {strides = array<i32>} : memref<416xi32, #tpu.memory_space<vmem>>, vector<16xi32>,
    tpu.vector_store %arg10[%swap3A_85], %broadcast_in_dim3A_37 {strides = array<i32>} : memref<416xi32, #tpu.memory_space<vmem>>, vector<16xi32>,
    %swap3A_87 = arith.constant 400 : index
    %swap3A_88 = tpu.vector_load %arg10[%swap3A_87] {strides = array<i32>} : memref<416xi32, #tpu.memory_space<vmem>>, vector<16xi32>,
    tpu.vector_store %arg10[%swap3A_87], %broadcast_in_dim3A_37 {strides = array<i32>} : memref<416xi32, #tpu.memory_space<vmem>>, vector<16xi32>,
    %scan3A = arith.constant 0 : i32
    %scan3A_89 = arith.constant 409 : i32
    %scan3A_90 = arith.constant 0 : i32
    %scan3A_91 = arith.constant 128 : i32
    %scan3A_92 = arith.addi %scan3A_90, %scan3A_91 : i32
    %scan3A_93 = arith.constant 1 : i32
    scf.for %scan3A_241 = %scan3A_90 to %scan3A_92 step %scan3A_93  : i32 {
      %mul3A_242 = arith.constant 16 : i32
      %mul3A_243 = arith.muli %scan3A_241, %mul3A_242 : i32
      %get3A_244 = arith.index_cast %mul3A_243 : i32 to index
      %get3A_245 = tpu.vector_load %arg8[%get3A_244] {strides = array<i32>} : memref<2048xi32, #tpu.memory_space<vmem>>, vector<16xi32>,
      %mul3A_246 = arith.constant 16 : i32
      %mul3A_247 = arith.muli %scan3A_241, %mul3A_246 : i32
      %get3A_248 = arith.index_cast %mul3A_247 : i32 to index
      %get3A_249 = tpu.vector_load %arg9[%get3A_248] {strides = array<i32>} : memref<2048xf32, #tpu.memory_space<vmem>>, vector<16xf32>,
      %iota3A = tpu.iota {dimensions = array<i32: 0>} : vector<16xi32>
      %mul3A_250 = arith.constant 16 : i32
      %mul3A_251 = arith.muli %scan3A_241, %mul3A_250 : i32
      %add3A_252 = arith.addi %mul3A_251, %mul3A_32 : i32
      %add3A_253 = vector.broadcast %add3A_252 : i32 to vector<16xi32>
      %add3A_254 = arith.addi %iota3A, %add3A_253 : vector<16xi32>
      %lt3A_255 = vector.broadcast %scan3A_89 : i32 to vector<16xi32>
      %lt3A_256 = arith.cmpi slt, %get3A_245, %lt3A_255 : vector<16xi32>
      %broadcast_in_dim3A_257 = vector.broadcast %scan3A_89 : i32 to vector<16xi32>
      %select_n3A_258 = arith.select %lt3A_256, %get3A_245, %broadcast_in_dim3A_257 : vector<16xi1>, vector<16xi32>
      tpu.vector_store_idx %arg10[%select_n3A_258], %add3A_254 : memref<416xi32, #tpu.memory_space<vmem>>[vector<16xi32>], vector<16xi32>,
      tpu.vector_store_idx %arg11[%select_n3A_258], %get3A_249 : memref<416xf32, #tpu.memory_space<vmem>>[vector<16xi32>], vector<16xf32>,
    }
    %scan3A_94 = arith.constant 128 : i32
    %get3A = arith.constant 0 : index
    %get3A_95 = tpu.vector_load %arg10[%get3A] {strides = array<i32>} : memref<416xi32, #tpu.memory_space<vmem>>, vector<16xi32>,
    %swap3A_96 = arith.constant 0 : index
    %swap3A_97 = tpu.vector_load %arg12[%swap3A_96] {strides = array<i32>} : memref<128xi32, #tpu.memory_space<vmem>>, vector<16xi32>,
    tpu.vector_store %arg12[%swap3A_96], %get3A_95 {strides = array<i32>} : memref<128xi32, #tpu.memory_space<vmem>>, vector<16xi32>,
    %get3A_98 = arith.constant 16 : index
    %get3A_99 = tpu.vector_load %arg10[%get3A_98] {strides = array<i32>} : memref<416xi32, #tpu.memory_space<vmem>>, vector<16xi32>,
    %swap3A_100 = arith.constant 16 : index
    %swap3A_101 = tpu.vector_load %arg12[%swap3A_100] {strides = array<i32>} : memref<128xi32, #tpu.memory_space<vmem>>, vector<16xi32>,
    tpu.vector_store %arg12[%swap3A_100], %get3A_99 {strides = array<i32>} : memref<128xi32, #tpu.memory_space<vmem>>, vector<16xi32>,
    %get3A_102 = arith.constant 32 : index
    %get3A_103 = tpu.vector_load %arg10[%get3A_102] {strides = array<i32>} : memref<416xi32, #tpu.memory_space<vmem>>, vector<16xi32>,
    %swap3A_104 = arith.constant 32 : index
    %swap3A_105 = tpu.vector_load %arg12[%swap3A_104] {strides = array<i32>} : memref<128xi32, #tpu.memory_space<vmem>>, vector<16xi32>,
    tpu.vector_store %arg12[%swap3A_104], %get3A_103 {strides = array<i32>} : memref<128xi32, #tpu.memory_space<vmem>>, vector<16xi32>,
    %get3A_106 = arith.constant 48 : index
    %get3A_107 = tpu.vector_load %arg10[%get3A_106] {strides = array<i32>} : memref<416xi32, #tpu.memory_space<vmem>>, vector<16xi32>,
    %swap3A_108 = arith.constant 48 : index
    %swap3A_109 = tpu.vector_load %arg12[%swap3A_108] {strides = array<i32>} : memref<128xi32, #tpu.memory_space<vmem>>, vector<16xi32>,
    tpu.vector_store %arg12[%swap3A_108], %get3A_107 {strides = array<i32>} : memref<128xi32, #tpu.memory_space<vmem>>, vector<16xi32>,
    %get3A_110 = arith.constant 64 : index
    %get3A_111 = tpu.vector_load %arg10[%get3A_110] {strides = array<i32>} : memref<416xi32, #tpu.memory_space<vmem>>, vector<16xi32>,
    %swap3A_112 = arith.constant 64 : index
    %swap3A_113 = tpu.vector_load %arg12[%swap3A_112] {strides = array<i32>} : memref<128xi32, #tpu.memory_space<vmem>>, vector<16xi32>,
    tpu.vector_store %arg12[%swap3A_112], %get3A_111 {strides = array<i32>} : memref<128xi32, #tpu.memory_space<vmem>>, vector<16xi32>,
    %get3A_114 = arith.constant 80 : index
    %get3A_115 = tpu.vector_load %arg10[%get3A_114] {strides = array<i32>} : memref<416xi32, #tpu.memory_space<vmem>>, vector<16xi32>,
    %swap3A_116 = arith.constant 80 : index
    %swap3A_117 = tpu.vector_load %arg12[%swap3A_116] {strides = array<i32>} : memref<128xi32, #tpu.memory_space<vmem>>, vector<16xi32>,
    tpu.vector_store %arg12[%swap3A_116], %get3A_115 {strides = array<i32>} : memref<128xi32, #tpu.memory_space<vmem>>, vector<16xi32>,
    %get3A_118 = arith.constant 96 : index
    %get3A_119 = tpu.vector_load %arg10[%get3A_118] {strides = array<i32>} : memref<416xi32, #tpu.memory_space<vmem>>, vector<16xi32>,
    %swap3A_120 = arith.constant 96 : index
    %swap3A_121 = tpu.vector_load %arg12[%swap3A_120] {strides = array<i32>} : memref<128xi32, #tpu.memory_space<vmem>>, vector<16xi32>,
    tpu.vector_store %arg12[%swap3A_120], %get3A_119 {strides = array<i32>} : memref<128xi32, #tpu.memory_space<vmem>>, vector<16xi32>,
    %get3A_122 = arith.constant 112 : index
    %get3A_123 = tpu.vector_load %arg10[%get3A_122] {strides = array<i32>} : memref<416xi32, #tpu.memory_space<vmem>>, vector<16xi32>,
    %swap3A_124 = arith.constant 112 : index
    %swap3A_125 = tpu.vector_load %arg12[%swap3A_124] {strides = array<i32>} : memref<128xi32, #tpu.memory_space<vmem>>, vector<16xi32>,
    tpu.vector_store %arg12[%swap3A_124], %get3A_123 {strides = array<i32>} : memref<128xi32, #tpu.memory_space<vmem>>, vector<16xi32>,
    %eq3A_126 = arith.constant 0 : i32
    %eq3A_127 = arith.cmpi eq, %select_n3A_30, %eq3A_126 : i32
    %convert_element_type3A = arith.extui %eq3A_127 : i1 to i32
    %cond3A = arith.constant 0 : i32
    %cond3A_128 = arith.cmpi ne, %convert_element_type3A, %cond3A : i32
    scf.if %cond3A_128 {
      %dma_start3A = arith.constant 0 : i32
      %dma_start3A_241 = arith.constant 0 : i32
      %dma_start3A_242 = tpu.memref_slice %arg13[%dma_start3A, %dma_start3A_241] : memref<416x128xf32, #tpu.memory_space<vmem>> -> memref<128x128xf32, #tpu.memory_space<vmem>>
      %dma_start3A_243 = arith.constant 0 : i32
      %dma_start3A_244 = tpu.memref_slice %arg12[%dma_start3A_243] : memref<128xi32, #tpu.memory_space<vmem>> -> memref<128xi32, #tpu.memory_space<vmem>>
      %dma_start3A_245 = arith.constant 0 : i32
      %dma_start3A_246 = arith.constant 0 : i32
      %dma_start3A_247 = tpu.memref_slice %arg4[%dma_start3A_245, %dma_start3A_246] : memref<32768x128xf32, #tpu.memory_space<hbm>> -> memref<32768x128xf32, #tpu.memory_space<hbm>>
      tpu.enqueue_indirect_dma source(%dma_start3A_247 : memref<32768x128xf32, #tpu.memory_space<hbm>>) target(%dma_start3A_242 : memref<128x128xf32, #tpu.memory_space<vmem>>) offsets(%dma_start3A_244 : memref<128xi32, #tpu.memory_space<vmem>>) semaphore(%arg14 : memref<!tpu.dma_semaphore, #tpu.memory_space<semaphore_mem>>)
      %dma_wait3A = arith.constant 0 : i32
      %dma_wait3A_248 = arith.constant 0 : i32
      %dma_wait3A_249 = tpu.memref_slice %arg13[%dma_wait3A, %dma_wait3A_248] : memref<416x128xf32, #tpu.memory_space<vmem>> -> memref<128x128xf32, #tpu.memory_space<vmem>>
      %dma_wait3A_250 = arith.constant 0 : i32
      %dma_wait3A_251 = tpu.memref_slice %arg12[%dma_wait3A_250] : memref<128xi32, #tpu.memory_space<vmem>> -> memref<128xi32, #tpu.memory_space<vmem>>
      %dma_wait3A_252 = arith.constant 0 : i32
      %dma_wait3A_253 = arith.constant 0 : i32
      %dma_wait3A_254 = tpu.memref_slice %arg4[%dma_wait3A_252, %dma_wait3A_253] : memref<32768x128xf32, #tpu.memory_space<hbm>> -> memref<32768x128xf32, #tpu.memory_space<hbm>>
      tpu.wait_indirect_dma semaphore(%arg14 : memref<!tpu.dma_semaphore, #tpu.memory_space<semaphore_mem>>) src(%dma_wait3A_254 : memref<32768x128xf32, #tpu.memory_space<hbm>>) dst(%dma_wait3A_249 : memref<128x128xf32, #tpu.memory_space<vmem>>)
    } else {
    }
    %eq3A_129 = arith.constant 1 : i32
    %eq3A_130 = arith.cmpi eq, %select_n3A_30, %eq3A_129 : i32
    %convert_element_type3A_131 = arith.extui %eq3A_130 : i1 to i32
    %cond3A_132 = arith.constant 0 : i32
    %cond3A_133 = arith.cmpi ne, %convert_element_type3A_131, %cond3A_132 : i32
    scf.if %cond3A_133 {
      %dma_start3A = arith.constant 0 : i32
      %dma_start3A_241 = arith.constant 0 : i32
      %dma_start3A_242 = tpu.memref_slice %arg13[%dma_start3A, %dma_start3A_241] : memref<416x128xf32, #tpu.memory_space<vmem>> -> memref<128x128xf32, #tpu.memory_space<vmem>>
      %dma_start3A_243 = arith.constant 0 : i32
      %dma_start3A_244 = tpu.memref_slice %arg12[%dma_start3A_243] : memref<128xi32, #tpu.memory_space<vmem>> -> memref<128xi32, #tpu.memory_space<vmem>>
      %dma_start3A_245 = arith.constant 0 : i32
      %dma_start3A_246 = arith.constant 0 : i32
      %dma_start3A_247 = tpu.memref_slice %arg5[%dma_start3A_245, %dma_start3A_246] : memref<32768x128xf32, #tpu.memory_space<hbm>> -> memref<32768x128xf32, #tpu.memory_space<hbm>>
      tpu.enqueue_indirect_dma source(%dma_start3A_247 : memref<32768x128xf32, #tpu.memory_space<hbm>>) target(%dma_start3A_242 : memref<128x128xf32, #tpu.memory_space<vmem>>) offsets(%dma_start3A_244 : memref<128xi32, #tpu.memory_space<vmem>>) semaphore(%arg14 : memref<!tpu.dma_semaphore, #tpu.memory_space<semaphore_mem>>)
      %dma_wait3A = arith.constant 0 : i32
      %dma_wait3A_248 = arith.constant 0 : i32
      %dma_wait3A_249 = tpu.memref_slice %arg13[%dma_wait3A, %dma_wait3A_248] : memref<416x128xf32, #tpu.memory_space<vmem>> -> memref<128x128xf32, #tpu.memory_space<vmem>>
      %dma_wait3A_250 = arith.constant 0 : i32
      %dma_wait3A_251 = tpu.memref_slice %arg12[%dma_wait3A_250] : memref<128xi32, #tpu.memory_space<vmem>> -> memref<128xi32, #tpu.memory_space<vmem>>
      %dma_wait3A_252 = arith.constant 0 : i32
      %dma_wait3A_253 = arith.constant 0 : i32
      %dma_wait3A_254 = tpu.memref_slice %arg5[%dma_wait3A_252, %dma_wait3A_253] : memref<32768x128xf32, #tpu.memory_space<hbm>> -> memref<32768x128xf32, #tpu.memory_space<hbm>>
      tpu.wait_indirect_dma semaphore(%arg14 : memref<!tpu.dma_semaphore, #tpu.memory_space<semaphore_mem>>) src(%dma_wait3A_254 : memref<32768x128xf32, #tpu.memory_space<hbm>>) dst(%dma_wait3A_249 : memref<128x128xf32, #tpu.memory_space<vmem>>)
    } else {
    }
    %get3A_134 = arith.constant 128 : index
    %get3A_135 = tpu.vector_load %arg10[%get3A_134] {strides = array<i32>} : memref<416xi32, #tpu.memory_space<vmem>>, vector<16xi32>,
    %swap3A_136 = arith.constant 0 : index
    %swap3A_137 = tpu.vector_load %arg12[%swap3A_136] {strides = array<i32>} : memref<128xi32, #tpu.memory_space<vmem>>, vector<16xi32>,
    tpu.vector_store %arg12[%swap3A_136], %get3A_135 {strides = array<i32>} : memref<128xi32, #tpu.memory_space<vmem>>, vector<16xi32>,
    %get3A_138 = arith.constant 144 : index
    %get3A_139 = tpu.vector_load %arg10[%get3A_138] {strides = array<i32>} : memref<416xi32, #tpu.memory_space<vmem>>, vector<16xi32>,
    %swap3A_140 = arith.constant 16 : index
    %swap3A_141 = tpu.vector_load %arg12[%swap3A_140] {strides = array<i32>} : memref<128xi32, #tpu.memory_space<vmem>>, vector<16xi32>,
    tpu.vector_store %arg12[%swap3A_140], %get3A_139 {strides = array<i32>} : memref<128xi32, #tpu.memory_space<vmem>>, vector<16xi32>,
    %get3A_142 = arith.constant 160 : index
    %get3A_143 = tpu.vector_load %arg10[%get3A_142] {strides = array<i32>} : memref<416xi32, #tpu.memory_space<vmem>>, vector<16xi32>,
    %swap3A_144 = arith.constant 32 : index
    %swap3A_145 = tpu.vector_load %arg12[%swap3A_144] {strides = array<i32>} : memref<128xi32, #tpu.memory_space<vmem>>, vector<16xi32>,
    tpu.vector_store %arg12[%swap3A_144], %get3A_143 {strides = array<i32>} : memref<128xi32, #tpu.memory_space<vmem>>, vector<16xi32>,
    %get3A_146 = arith.constant 176 : index
    %get3A_147 = tpu.vector_load %arg10[%get3A_146] {strides = array<i32>} : memref<416xi32, #tpu.memory_space<vmem>>, vector<16xi32>,
    %swap3A_148 = arith.constant 48 : index
    %swap3A_149 = tpu.vector_load %arg12[%swap3A_148] {strides = array<i32>} : memref<128xi32, #tpu.memory_space<vmem>>, vector<16xi32>,
    tpu.vector_store %arg12[%swap3A_148], %get3A_147 {strides = array<i32>} : memref<128xi32, #tpu.memory_space<vmem>>, vector<16xi32>,
    %get3A_150 = arith.constant 192 : index
    %get3A_151 = tpu.vector_load %arg10[%get3A_150] {strides = array<i32>} : memref<416xi32, #tpu.memory_space<vmem>>, vector<16xi32>,
    %swap3A_152 = arith.constant 64 : index
    %swap3A_153 = tpu.vector_load %arg12[%swap3A_152] {strides = array<i32>} : memref<128xi32, #tpu.memory_space<vmem>>, vector<16xi32>,
    tpu.vector_store %arg12[%swap3A_152], %get3A_151 {strides = array<i32>} : memref<128xi32, #tpu.memory_space<vmem>>, vector<16xi32>,
    %get3A_154 = arith.constant 208 : index
    %get3A_155 = tpu.vector_load %arg10[%get3A_154] {strides = array<i32>} : memref<416xi32, #tpu.memory_space<vmem>>, vector<16xi32>,
    %swap3A_156 = arith.constant 80 : index
    %swap3A_157 = tpu.vector_load %arg12[%swap3A_156] {strides = array<i32>} : memref<128xi32, #tpu.memory_space<vmem>>, vector<16xi32>,
    tpu.vector_store %arg12[%swap3A_156], %get3A_155 {strides = array<i32>} : memref<128xi32, #tpu.memory_space<vmem>>, vector<16xi32>,
    %get3A_158 = arith.constant 224 : index
    %get3A_159 = tpu.vector_load %arg10[%get3A_158] {strides = array<i32>} : memref<416xi32, #tpu.memory_space<vmem>>, vector<16xi32>,
    %swap3A_160 = arith.constant 96 : index
    %swap3A_161 = tpu.vector_load %arg12[%swap3A_160] {strides = array<i32>} : memref<128xi32, #tpu.memory_space<vmem>>, vector<16xi32>,
    tpu.vector_store %arg12[%swap3A_160], %get3A_159 {strides = array<i32>} : memref<128xi32, #tpu.memory_space<vmem>>, vector<16xi32>,
    %get3A_162 = arith.constant 240 : index
    %get3A_163 = tpu.vector_load %arg10[%get3A_162] {strides = array<i32>} : memref<416xi32, #tpu.memory_space<vmem>>, vector<16xi32>,
    %swap3A_164 = arith.constant 112 : index
    %swap3A_165 = tpu.vector_load %arg12[%swap3A_164] {strides = array<i32>} : memref<128xi32, #tpu.memory_space<vmem>>, vector<16xi32>,
    tpu.vector_store %arg12[%swap3A_164], %get3A_163 {strides = array<i32>} : memref<128xi32, #tpu.memory_space<vmem>>, vector<16xi32>,
    %eq3A_166 = arith.constant 0 : i32
    %eq3A_167 = arith.cmpi eq, %select_n3A_30, %eq3A_166 : i32
    %convert_element_type3A_168 = arith.extui %eq3A_167 : i1 to i32
    %cond3A_169 = arith.constant 0 : i32
    %cond3A_170 = arith.cmpi ne, %convert_element_type3A_168, %cond3A_169 : i32
    scf.if %cond3A_170 {
      %dma_start3A = arith.constant 128 : i32
      %dma_start3A_241 = arith.constant 0 : i32
      %dma_start3A_242 = tpu.memref_slice %arg13[%dma_start3A, %dma_start3A_241] : memref<416x128xf32, #tpu.memory_space<vmem>> -> memref<128x128xf32, #tpu.memory_space<vmem>>
      %dma_start3A_243 = arith.constant 0 : i32
      %dma_start3A_244 = tpu.memref_slice %arg12[%dma_start3A_243] : memref<128xi32, #tpu.memory_space<vmem>> -> memref<128xi32, #tpu.memory_space<vmem>>
      %dma_start3A_245 = arith.constant 0 : i32
      %dma_start3A_246 = arith.constant 0 : i32
      %dma_start3A_247 = tpu.memref_slice %arg4[%dma_start3A_245, %dma_start3A_246] : memref<32768x128xf32, #tpu.memory_space<hbm>> -> memref<32768x128xf32, #tpu.memory_space<hbm>>
      tpu.enqueue_indirect_dma source(%dma_start3A_247 : memref<32768x128xf32, #tpu.memory_space<hbm>>) target(%dma_start3A_242 : memref<128x128xf32, #tpu.memory_space<vmem>>) offsets(%dma_start3A_244 : memref<128xi32, #tpu.memory_space<vmem>>) semaphore(%arg14 : memref<!tpu.dma_semaphore, #tpu.memory_space<semaphore_mem>>)
      %dma_wait3A = arith.constant 128 : i32
      %dma_wait3A_248 = arith.constant 0 : i32
      %dma_wait3A_249 = tpu.memref_slice %arg13[%dma_wait3A, %dma_wait3A_248] : memref<416x128xf32, #tpu.memory_space<vmem>> -> memref<128x128xf32, #tpu.memory_space<vmem>>
      %dma_wait3A_250 = arith.constant 0 : i32
      %dma_wait3A_251 = tpu.memref_slice %arg12[%dma_wait3A_250] : memref<128xi32, #tpu.memory_space<vmem>> -> memref<128xi32, #tpu.memory_space<vmem>>
      %dma_wait3A_252 = arith.constant 0 : i32
      %dma_wait3A_253 = arith.constant 0 : i32
      %dma_wait3A_254 = tpu.memref_slice %arg4[%dma_wait3A_252, %dma_wait3A_253] : memref<32768x128xf32, #tpu.memory_space<hbm>> -> memref<32768x128xf32, #tpu.memory_space<hbm>>
      tpu.wait_indirect_dma semaphore(%arg14 : memref<!tpu.dma_semaphore, #tpu.memory_space<semaphore_mem>>) src(%dma_wait3A_254 : memref<32768x128xf32, #tpu.memory_space<hbm>>) dst(%dma_wait3A_249 : memref<128x128xf32, #tpu.memory_space<vmem>>)
    } else {
    }
    %eq3A_171 = arith.constant 1 : i32
    %eq3A_172 = arith.cmpi eq, %select_n3A_30, %eq3A_171 : i32
    %convert_element_type3A_173 = arith.extui %eq3A_172 : i1 to i32
    %cond3A_174 = arith.constant 0 : i32
    %cond3A_175 = arith.cmpi ne, %convert_element_type3A_173, %cond3A_174 : i32
    scf.if %cond3A_175 {
      %dma_start3A = arith.constant 128 : i32
      %dma_start3A_241 = arith.constant 0 : i32
      %dma_start3A_242 = tpu.memref_slice %arg13[%dma_start3A, %dma_start3A_241] : memref<416x128xf32, #tpu.memory_space<vmem>> -> memref<128x128xf32, #tpu.memory_space<vmem>>
      %dma_start3A_243 = arith.constant 0 : i32
      %dma_start3A_244 = tpu.memref_slice %arg12[%dma_start3A_243] : memref<128xi32, #tpu.memory_space<vmem>> -> memref<128xi32, #tpu.memory_space<vmem>>
      %dma_start3A_245 = arith.constant 0 : i32
      %dma_start3A_246 = arith.constant 0 : i32
      %dma_start3A_247 = tpu.memref_slice %arg5[%dma_start3A_245, %dma_start3A_246] : memref<32768x128xf32, #tpu.memory_space<hbm>> -> memref<32768x128xf32, #tpu.memory_space<hbm>>
      tpu.enqueue_indirect_dma source(%dma_start3A_247 : memref<32768x128xf32, #tpu.memory_space<hbm>>) target(%dma_start3A_242 : memref<128x128xf32, #tpu.memory_space<vmem>>) offsets(%dma_start3A_244 : memref<128xi32, #tpu.memory_space<vmem>>) semaphore(%arg14 : memref<!tpu.dma_semaphore, #tpu.memory_space<semaphore_mem>>)
      %dma_wait3A = arith.constant 128 : i32
      %dma_wait3A_248 = arith.constant 0 : i32
      %dma_wait3A_249 = tpu.memref_slice %arg13[%dma_wait3A, %dma_wait3A_248] : memref<416x128xf32, #tpu.memory_space<vmem>> -> memref<128x128xf32, #tpu.memory_space<vmem>>
      %dma_wait3A_250 = arith.constant 0 : i32
      %dma_wait3A_251 = tpu.memref_slice %arg12[%dma_wait3A_250] : memref<128xi32, #tpu.memory_space<vmem>> -> memref<128xi32, #tpu.memory_space<vmem>>
      %dma_wait3A_252 = arith.constant 0 : i32
      %dma_wait3A_253 = arith.constant 0 : i32
      %dma_wait3A_254 = tpu.memref_slice %arg5[%dma_wait3A_252, %dma_wait3A_253] : memref<32768x128xf32, #tpu.memory_space<hbm>> -> memref<32768x128xf32, #tpu.memory_space<hbm>>
      tpu.wait_indirect_dma semaphore(%arg14 : memref<!tpu.dma_semaphore, #tpu.memory_space<semaphore_mem>>) src(%dma_wait3A_254 : memref<32768x128xf32, #tpu.memory_space<hbm>>) dst(%dma_wait3A_249 : memref<128x128xf32, #tpu.memory_space<vmem>>)
    } else {
    }
    %get3A_176 = arith.constant 256 : index
    %get3A_177 = tpu.vector_load %arg10[%get3A_176] {strides = array<i32>} : memref<416xi32, #tpu.memory_space<vmem>>, vector<16xi32>,
    %swap3A_178 = arith.constant 0 : index
    %swap3A_179 = tpu.vector_load %arg12[%swap3A_178] {strides = array<i32>} : memref<128xi32, #tpu.memory_space<vmem>>, vector<16xi32>,
    tpu.vector_store %arg12[%swap3A_178], %get3A_177 {strides = array<i32>} : memref<128xi32, #tpu.memory_space<vmem>>, vector<16xi32>,
    %get3A_180 = arith.constant 272 : index
    %get3A_181 = tpu.vector_load %arg10[%get3A_180] {strides = array<i32>} : memref<416xi32, #tpu.memory_space<vmem>>, vector<16xi32>,
    %swap3A_182 = arith.constant 16 : index
    %swap3A_183 = tpu.vector_load %arg12[%swap3A_182] {strides = array<i32>} : memref<128xi32, #tpu.memory_space<vmem>>, vector<16xi32>,
    tpu.vector_store %arg12[%swap3A_182], %get3A_181 {strides = array<i32>} : memref<128xi32, #tpu.memory_space<vmem>>, vector<16xi32>,
    %get3A_184 = arith.constant 288 : index
    %get3A_185 = tpu.vector_load %arg10[%get3A_184] {strides = array<i32>} : memref<416xi32, #tpu.memory_space<vmem>>, vector<16xi32>,
    %swap3A_186 = arith.constant 32 : index
    %swap3A_187 = tpu.vector_load %arg12[%swap3A_186] {strides = array<i32>} : memref<128xi32, #tpu.memory_space<vmem>>, vector<16xi32>,
    tpu.vector_store %arg12[%swap3A_186], %get3A_185 {strides = array<i32>} : memref<128xi32, #tpu.memory_space<vmem>>, vector<16xi32>,
    %get3A_188 = arith.constant 304 : index
    %get3A_189 = tpu.vector_load %arg10[%get3A_188] {strides = array<i32>} : memref<416xi32, #tpu.memory_space<vmem>>, vector<16xi32>,
    %swap3A_190 = arith.constant 48 : index
    %swap3A_191 = tpu.vector_load %arg12[%swap3A_190] {strides = array<i32>} : memref<128xi32, #tpu.memory_space<vmem>>, vector<16xi32>,
    tpu.vector_store %arg12[%swap3A_190], %get3A_189 {strides = array<i32>} : memref<128xi32, #tpu.memory_space<vmem>>, vector<16xi32>,
    %get3A_192 = arith.constant 320 : index
    %get3A_193 = tpu.vector_load %arg10[%get3A_192] {strides = array<i32>} : memref<416xi32, #tpu.memory_space<vmem>>, vector<16xi32>,
    %swap3A_194 = arith.constant 64 : index
    %swap3A_195 = tpu.vector_load %arg12[%swap3A_194] {strides = array<i32>} : memref<128xi32, #tpu.memory_space<vmem>>, vector<16xi32>,
    tpu.vector_store %arg12[%swap3A_194], %get3A_193 {strides = array<i32>} : memref<128xi32, #tpu.memory_space<vmem>>, vector<16xi32>,
    %get3A_196 = arith.constant 336 : index
    %get3A_197 = tpu.vector_load %arg10[%get3A_196] {strides = array<i32>} : memref<416xi32, #tpu.memory_space<vmem>>, vector<16xi32>,
    %swap3A_198 = arith.constant 80 : index
    %swap3A_199 = tpu.vector_load %arg12[%swap3A_198] {strides = array<i32>} : memref<128xi32, #tpu.memory_space<vmem>>, vector<16xi32>,
    tpu.vector_store %arg12[%swap3A_198], %get3A_197 {strides = array<i32>} : memref<128xi32, #tpu.memory_space<vmem>>, vector<16xi32>,
    %get3A_200 = arith.constant 352 : index
    %get3A_201 = tpu.vector_load %arg10[%get3A_200] {strides = array<i32>} : memref<416xi32, #tpu.memory_space<vmem>>, vector<16xi32>,
    %swap3A_202 = arith.constant 96 : index
    %swap3A_203 = tpu.vector_load %arg12[%swap3A_202] {strides = array<i32>} : memref<128xi32, #tpu.memory_space<vmem>>, vector<16xi32>,
    tpu.vector_store %arg12[%swap3A_202], %get3A_201 {strides = array<i32>} : memref<128xi32, #tpu.memory_space<vmem>>, vector<16xi32>,
    %get3A_204 = arith.constant 368 : index
    %get3A_205 = tpu.vector_load %arg10[%get3A_204] {strides = array<i32>} : memref<416xi32, #tpu.memory_space<vmem>>, vector<16xi32>,
    %swap3A_206 = arith.constant 112 : index
    %swap3A_207 = tpu.vector_load %arg12[%swap3A_206] {strides = array<i32>} : memref<128xi32, #tpu.memory_space<vmem>>, vector<16xi32>,
    tpu.vector_store %arg12[%swap3A_206], %get3A_205 {strides = array<i32>} : memref<128xi32, #tpu.memory_space<vmem>>, vector<16xi32>,
    %eq3A_208 = arith.constant 0 : i32
    %eq3A_209 = arith.cmpi eq, %select_n3A_30, %eq3A_208 : i32
    %convert_element_type3A_210 = arith.extui %eq3A_209 : i1 to i32
    %cond3A_211 = arith.constant 0 : i32
    %cond3A_212 = arith.cmpi ne, %convert_element_type3A_210, %cond3A_211 : i32
    scf.if %cond3A_212 {
      %dma_start3A = arith.constant 256 : i32
      %dma_start3A_241 = arith.constant 0 : i32
      %dma_start3A_242 = tpu.memref_slice %arg13[%dma_start3A, %dma_start3A_241] : memref<416x128xf32, #tpu.memory_space<vmem>> -> memref<128x128xf32, #tpu.memory_space<vmem>>
      %dma_start3A_243 = arith.constant 0 : i32
      %dma_start3A_244 = tpu.memref_slice %arg12[%dma_start3A_243] : memref<128xi32, #tpu.memory_space<vmem>> -> memref<128xi32, #tpu.memory_space<vmem>>
      %dma_start3A_245 = arith.constant 0 : i32
      %dma_start3A_246 = arith.constant 0 : i32
      %dma_start3A_247 = tpu.memref_slice %arg4[%dma_start3A_245, %dma_start3A_246] : memref<32768x128xf32, #tpu.memory_space<hbm>> -> memref<32768x128xf32, #tpu.memory_space<hbm>>
      tpu.enqueue_indirect_dma source(%dma_start3A_247 : memref<32768x128xf32, #tpu.memory_space<hbm>>) target(%dma_start3A_242 : memref<128x128xf32, #tpu.memory_space<vmem>>) offsets(%dma_start3A_244 : memref<128xi32, #tpu.memory_space<vmem>>) semaphore(%arg14 : memref<!tpu.dma_semaphore, #tpu.memory_space<semaphore_mem>>)
      %dma_wait3A = arith.constant 256 : i32
      %dma_wait3A_248 = arith.constant 0 : i32
      %dma_wait3A_249 = tpu.memref_slice %arg13[%dma_wait3A, %dma_wait3A_248] : memref<416x128xf32, #tpu.memory_space<vmem>> -> memref<128x128xf32, #tpu.memory_space<vmem>>
      %dma_wait3A_250 = arith.constant 0 : i32
      %dma_wait3A_251 = tpu.memref_slice %arg12[%dma_wait3A_250] : memref<128xi32, #tpu.memory_space<vmem>> -> memref<128xi32, #tpu.memory_space<vmem>>
      %dma_wait3A_252 = arith.constant 0 : i32
      %dma_wait3A_253 = arith.constant 0 : i32
      %dma_wait3A_254 = tpu.memref_slice %arg4[%dma_wait3A_252, %dma_wait3A_253] : memref<32768x128xf32, #tpu.memory_space<hbm>> -> memref<32768x128xf32, #tpu.memory_space<hbm>>
      tpu.wait_indirect_dma semaphore(%arg14 : memref<!tpu.dma_semaphore, #tpu.memory_space<semaphore_mem>>) src(%dma_wait3A_254 : memref<32768x128xf32, #tpu.memory_space<hbm>>) dst(%dma_wait3A_249 : memref<128x128xf32, #tpu.memory_space<vmem>>)
    } else {
    }
    %eq3A_213 = arith.constant 1 : i32
    %eq3A_214 = arith.cmpi eq, %select_n3A_30, %eq3A_213 : i32
    %convert_element_type3A_215 = arith.extui %eq3A_214 : i1 to i32
    %cond3A_216 = arith.constant 0 : i32
    %cond3A_217 = arith.cmpi ne, %convert_element_type3A_215, %cond3A_216 : i32
    scf.if %cond3A_217 {
      %dma_start3A = arith.constant 256 : i32
      %dma_start3A_241 = arith.constant 0 : i32
      %dma_start3A_242 = tpu.memref_slice %arg13[%dma_start3A, %dma_start3A_241] : memref<416x128xf32, #tpu.memory_space<vmem>> -> memref<128x128xf32, #tpu.memory_space<vmem>>
      %dma_start3A_243 = arith.constant 0 : i32
      %dma_start3A_244 = tpu.memref_slice %arg12[%dma_start3A_243] : memref<128xi32, #tpu.memory_space<vmem>> -> memref<128xi32, #tpu.memory_space<vmem>>
      %dma_start3A_245 = arith.constant 0 : i32
      %dma_start3A_246 = arith.constant 0 : i32
      %dma_start3A_247 = tpu.memref_slice %arg5[%dma_start3A_245, %dma_start3A_246] : memref<32768x128xf32, #tpu.memory_space<hbm>> -> memref<32768x128xf32, #tpu.memory_space<hbm>>
      tpu.enqueue_indirect_dma source(%dma_start3A_247 : memref<32768x128xf32, #tpu.memory_space<hbm>>) target(%dma_start3A_242 : memref<128x128xf32, #tpu.memory_space<vmem>>) offsets(%dma_start3A_244 : memref<128xi32, #tpu.memory_space<vmem>>) semaphore(%arg14 : memref<!tpu.dma_semaphore, #tpu.memory_space<semaphore_mem>>)
      %dma_wait3A = arith.constant 256 : i32
      %dma_wait3A_248 = arith.constant 0 : i32
      %dma_wait3A_249 = tpu.memref_slice %arg13[%dma_wait3A, %dma_wait3A_248] : memref<416x128xf32, #tpu.memory_space<vmem>> -> memref<128x128xf32, #tpu.memory_space<vmem>>
      %dma_wait3A_250 = arith.constant 0 : i32
      %dma_wait3A_251 = tpu.memref_slice %arg12[%dma_wait3A_250] : memref<128xi32, #tpu.memory_space<vmem>> -> memref<128xi32, #tpu.memory_space<vmem>>
      %dma_wait3A_252 = arith.constant 0 : i32
      %dma_wait3A_253 = arith.constant 0 : i32
      %dma_wait3A_254 = tpu.memref_slice %arg5[%dma_wait3A_252, %dma_wait3A_253] : memref<32768x128xf32, #tpu.memory_space<hbm>> -> memref<32768x128xf32, #tpu.memory_space<hbm>>
      tpu.wait_indirect_dma semaphore(%arg14 : memref<!tpu.dma_semaphore, #tpu.memory_space<semaphore_mem>>) src(%dma_wait3A_254 : memref<32768x128xf32, #tpu.memory_space<hbm>>) dst(%dma_wait3A_249 : memref<128x128xf32, #tpu.memory_space<vmem>>)
    } else {
    }
    %get3A_218 = arith.constant 384 : index
    %get3A_219 = tpu.vector_load %arg10[%get3A_218] {strides = array<i32>} : memref<416xi32, #tpu.memory_space<vmem>>, vector<16xi32>,
    %swap3A_220 = arith.constant 0 : index
    %swap3A_221 = tpu.vector_load %arg12[%swap3A_220] {strides = array<i32>} : memref<128xi32, #tpu.memory_space<vmem>>, vector<16xi32>,
    tpu.vector_store %arg12[%swap3A_220], %get3A_219 {strides = array<i32>} : memref<128xi32, #tpu.memory_space<vmem>>, vector<16xi32>,
    %get3A_222 = arith.constant 400 : index
    %get3A_223 = tpu.vector_load %arg10[%get3A_222] {strides = array<i32>} : memref<416xi32, #tpu.memory_space<vmem>>, vector<16xi32>,
    %swap3A_224 = arith.constant 16 : index
    %swap3A_225 = tpu.vector_load %arg12[%swap3A_224] {strides = array<i32>} : memref<128xi32, #tpu.memory_space<vmem>>, vector<16xi32>,
    tpu.vector_store %arg12[%swap3A_224], %get3A_223 {strides = array<i32>} : memref<128xi32, #tpu.memory_space<vmem>>, vector<16xi32>,
    %eq3A_226 = arith.constant 0 : i32
    %eq3A_227 = arith.cmpi eq, %select_n3A_30, %eq3A_226 : i32
    %convert_element_type3A_228 = arith.extui %eq3A_227 : i1 to i32
    %cond3A_229 = arith.constant 0 : i32
    %cond3A_230 = arith.cmpi ne, %convert_element_type3A_228, %cond3A_229 : i32
    scf.if %cond3A_230 {
      %dma_start3A = arith.constant 384 : i32
      %dma_start3A_241 = arith.constant 0 : i32
      %dma_start3A_242 = tpu.memref_slice %arg13[%dma_start3A, %dma_start3A_241] : memref<416x128xf32, #tpu.memory_space<vmem>> -> memref<32x128xf32, #tpu.memory_space<vmem>>
      %dma_start3A_243 = arith.constant 0 : i32
      %dma_start3A_244 = tpu.memref_slice %arg12[%dma_start3A_243] : memref<128xi32, #tpu.memory_space<vmem>> -> memref<32xi32, #tpu.memory_space<vmem>>
      %dma_start3A_245 = arith.constant 0 : i32
      %dma_start3A_246 = arith.constant 0 : i32
      %dma_start3A_247 = tpu.memref_slice %arg4[%dma_start3A_245, %dma_start3A_246] : memref<32768x128xf32, #tpu.memory_space<hbm>> -> memref<32768x128xf32, #tpu.memory_space<hbm>>
      tpu.enqueue_indirect_dma source(%dma_start3A_247 : memref<32768x128xf32, #tpu.memory_space<hbm>>) target(%dma_start3A_242 : memref<32x128xf32, #tpu.memory_space<vmem>>) offsets(%dma_start3A_244 : memref<32xi32, #tpu.memory_space<vmem>>) semaphore(%arg14 : memref<!tpu.dma_semaphore, #tpu.memory_space<semaphore_mem>>)
      %dma_wait3A = arith.constant 384 : i32
      %dma_wait3A_248 = arith.constant 0 : i32
      %dma_wait3A_249 = tpu.memref_slice %arg13[%dma_wait3A, %dma_wait3A_248] : memref<416x128xf32, #tpu.memory_space<vmem>> -> memref<32x128xf32, #tpu.memory_space<vmem>>
      %dma_wait3A_250 = arith.constant 0 : i32
      %dma_wait3A_251 = tpu.memref_slice %arg12[%dma_wait3A_250] : memref<128xi32, #tpu.memory_space<vmem>> -> memref<32xi32, #tpu.memory_space<vmem>>
      %dma_wait3A_252 = arith.constant 0 : i32
      %dma_wait3A_253 = arith.constant 0 : i32
      %dma_wait3A_254 = tpu.memref_slice %arg4[%dma_wait3A_252, %dma_wait3A_253] : memref<32768x128xf32, #tpu.memory_space<hbm>> -> memref<32768x128xf32, #tpu.memory_space<hbm>>
      tpu.wait_indirect_dma semaphore(%arg14 : memref<!tpu.dma_semaphore, #tpu.memory_space<semaphore_mem>>) src(%dma_wait3A_254 : memref<32768x128xf32, #tpu.memory_space<hbm>>) dst(%dma_wait3A_249 : memref<32x128xf32, #tpu.memory_space<vmem>>)
    } else {
    }
    %eq3A_231 = arith.constant 1 : i32
    %eq3A_232 = arith.cmpi eq, %select_n3A_30, %eq3A_231 : i32
    %convert_element_type3A_233 = arith.extui %eq3A_232 : i1 to i32
    %cond3A_234 = arith.constant 0 : i32
    %cond3A_235 = arith.cmpi ne, %convert_element_type3A_233, %cond3A_234 : i32
    scf.if %cond3A_235 {
      %dma_start3A = arith.constant 384 : i32
      %dma_start3A_241 = arith.constant 0 : i32
      %dma_start3A_242 = tpu.memref_slice %arg13[%dma_start3A, %dma_start3A_241] : memref<416x128xf32, #tpu.memory_space<vmem>> -> memref<32x128xf32, #tpu.memory_space<vmem>>
      %dma_start3A_243 = arith.constant 0 : i32
      %dma_start3A_244 = tpu.memref_slice %arg12[%dma_start3A_243] : memref<128xi32, #tpu.memory_space<vmem>> -> memref<32xi32, #tpu.memory_space<vmem>>
      %dma_start3A_245 = arith.constant 0 : i32
      %dma_start3A_246 = arith.constant 0 : i32
      %dma_start3A_247 = tpu.memref_slice %arg5[%dma_start3A_245, %dma_start3A_246] : memref<32768x128xf32, #tpu.memory_space<hbm>> -> memref<32768x128xf32, #tpu.memory_space<hbm>>
      tpu.enqueue_indirect_dma source(%dma_start3A_247 : memref<32768x128xf32, #tpu.memory_space<hbm>>) target(%dma_start3A_242 : memref<32x128xf32, #tpu.memory_space<vmem>>) offsets(%dma_start3A_244 : memref<32xi32, #tpu.memory_space<vmem>>) semaphore(%arg14 : memref<!tpu.dma_semaphore, #tpu.memory_space<semaphore_mem>>)
      %dma_wait3A = arith.constant 384 : i32
      %dma_wait3A_248 = arith.constant 0 : i32
      %dma_wait3A_249 = tpu.memref_slice %arg13[%dma_wait3A, %dma_wait3A_248] : memref<416x128xf32, #tpu.memory_space<vmem>> -> memref<32x128xf32, #tpu.memory_space<vmem>>
      %dma_wait3A_250 = arith.constant 0 : i32
      %dma_wait3A_251 = tpu.memref_slice %arg12[%dma_wait3A_250] : memref<128xi32, #tpu.memory_space<vmem>> -> memref<32xi32, #tpu.memory_space<vmem>>
      %dma_wait3A_252 = arith.constant 0 : i32
      %dma_wait3A_253 = arith.constant 0 : i32
      %dma_wait3A_254 = tpu.memref_slice %arg5[%dma_wait3A_252, %dma_wait3A_253] : memref<32768x128xf32, #tpu.memory_space<hbm>> -> memref<32768x128xf32, #tpu.memory_space<hbm>>
      tpu.wait_indirect_dma semaphore(%arg14 : memref<!tpu.dma_semaphore, #tpu.memory_space<semaphore_mem>>) src(%dma_wait3A_254 : memref<32768x128xf32, #tpu.memory_space<hbm>>) dst(%dma_wait3A_249 : memref<32x128xf32, #tpu.memory_space<vmem>>)
    } else {
    }
    "tpu.region"() ({
      %run_scoped3A = tpu.sem_alloc : memref<!tpu.dma_semaphore, #tpu.memory_space<semaphore_mem>>
      %dma_start3A = arith.constant 0 : i32
      %dma_start3A_241 = arith.constant 0 : i32
      %dma_start3A_242 = tpu.memref_slice %arg6[%select_n3A_30, %select_n3A, %dma_start3A, %dma_start3A_241] : memref<2x16x416x128xf32, #tpu.memory_space<hbm>> -> memref<1x1x416x128xf32, #tpu.memory_space<hbm>>
      %dma_start3A_243 = tpu.memref_squeeze %dma_start3A_242 : memref<1x1x416x128xf32, #tpu.memory_space<hbm>> -> memref<416x128xf32, #tpu.memory_space<hbm>>
      %dma_start3A_244 = arith.constant 0 : i32
      %dma_start3A_245 = arith.constant 0 : i32
      %dma_start3A_246 = tpu.memref_slice %arg6[%select_n3A_30, %select_n3A, %dma_start3A_244, %dma_start3A_245] : memref<2x16x416x128xf32, #tpu.memory_space<hbm>> -> memref<1x1x416x128xf32, #tpu.memory_space<hbm>>
      %dma_start3A_247 = tpu.memref_squeeze %dma_start3A_246 : memref<1x1x416x128xf32, #tpu.memory_space<hbm>> -> memref<416x128xf32, #tpu.memory_space<hbm>>
      tpu.enqueue_dma source(%arg13 : memref<416x128xf32, #tpu.memory_space<vmem>>) target(%dma_start3A_247 : memref<416x128xf32, #tpu.memory_space<hbm>>) target_semaphore(%run_scoped3A : memref<!tpu.dma_semaphore, #tpu.memory_space<semaphore_mem>>)
      %dma_wait3A = arith.constant 0 : i32
      %dma_wait3A_248 = arith.constant 0 : i32
      %dma_wait3A_249 = tpu.memref_slice %arg6[%select_n3A_30, %select_n3A, %dma_wait3A, %dma_wait3A_248] : memref<2x16x416x128xf32, #tpu.memory_space<hbm>> -> memref<1x1x416x128xf32, #tpu.memory_space<hbm>>
      %dma_wait3A_250 = tpu.memref_squeeze %dma_wait3A_249 : memref<1x1x416x128xf32, #tpu.memory_space<hbm>> -> memref<416x128xf32, #tpu.memory_space<hbm>>
      %dma_wait3A_251 = arith.constant 0 : i32
      %dma_wait3A_252 = arith.constant 0 : i32
      %dma_wait3A_253 = tpu.memref_slice %arg6[%select_n3A_30, %select_n3A, %dma_wait3A_251, %dma_wait3A_252] : memref<2x16x416x128xf32, #tpu.memory_space<hbm>> -> memref<1x1x416x128xf32, #tpu.memory_space<hbm>>
      %dma_wait3A_254 = tpu.memref_squeeze %dma_wait3A_253 : memref<1x1x416x128xf32, #tpu.memory_space<hbm>> -> memref<416x128xf32, #tpu.memory_space<hbm>>
      tpu.wait_dma2 semaphore(%run_scoped3A : memref<!tpu.dma_semaphore, #tpu.memory_space<semaphore_mem>>) src(%arg13 : memref<416x128xf32, #tpu.memory_space<vmem>>) dst(%dma_wait3A_254 : memref<416x128xf32, #tpu.memory_space<hbm>>)
      tpu.yield
    }) : () -> ()
    %eq3A_236 = arith.constant 0 : i32
    %eq3A_237 = arith.cmpi eq, %select_n3A_30, %eq3A_236 : i32
    %convert_element_type3A_238 = arith.extui %eq3A_237 : i1 to i32
    %cond3A_239 = arith.constant 0 : i32
    %cond3A_240 = arith.cmpi ne, %convert_element_type3A_238, %cond3A_239 : i32
    scf.if %cond3A_240 {
      "tpu.region"() ({
        %run_scoped3A = tpu.sem_alloc : memref<!tpu.dma_semaphore, #tpu.memory_space<semaphore_mem>>
        %dma_start3A = arith.constant 0 : i32
        %dma_start3A_241 = tpu.memref_slice %arg7[%select_n3A, %dma_start3A] : memref<16x416xf32, #tpu.memory_space<hbm>> -> memref<1x416xf32, #tpu.memory_space<hbm>>
        %dma_start3A_242 = tpu.memref_squeeze %dma_start3A_241 : memref<1x416xf32, #tpu.memory_space<hbm>> -> memref<416xf32, #tpu.memory_space<hbm>>
        %dma_start3A_243 = arith.constant 0 : i32
        %dma_start3A_244 = tpu.memref_slice %arg7[%select_n3A, %dma_start3A_243] : memref<16x416xf32, #tpu.memory_space<hbm>> -> memref<1x416xf32, #tpu.memory_space<hbm>>
        %dma_start3A_245 = tpu.memref_squeeze %dma_start3A_244 : memref<1x416xf32, #tpu.memory_space<hbm>> -> memref<416xf32, #tpu.memory_space<hbm>>
        tpu.enqueue_dma source(%arg11 : memref<416xf32, #tpu.memory_space<vmem>>) target(%dma_start3A_245 : memref<416xf32, #tpu.memory_space<hbm>>) target_semaphore(%run_scoped3A : memref<!tpu.dma_semaphore, #tpu.memory_space<semaphore_mem>>)
        %dma_wait3A = arith.constant 0 : i32
        %dma_wait3A_246 = tpu.memref_slice %arg7[%select_n3A, %dma_wait3A] : memref<16x416xf32, #tpu.memory_space<hbm>> -> memref<1x416xf32, #tpu.memory_space<hbm>>
        %dma_wait3A_247 = tpu.memref_squeeze %dma_wait3A_246 : memref<1x416xf32, #tpu.memory_space<hbm>> -> memref<416xf32, #tpu.memory_space<hbm>>
        %dma_wait3A_248 = arith.constant 0 : i32
        %dma_wait3A_249 = tpu.memref_slice %arg7[%select_n3A, %dma_wait3A_248] : memref<16x416xf32, #tpu.memory_space<hbm>> -> memref<1x416xf32, #tpu.memory_space<hbm>>
        %dma_wait3A_250 = tpu.memref_squeeze %dma_wait3A_249 : memref<1x416xf32, #tpu.memory_space<hbm>> -> memref<416xf32, #tpu.memory_space<hbm>>
        tpu.wait_dma2 semaphore(%run_scoped3A : memref<!tpu.dma_semaphore, #tpu.memory_space<semaphore_mem>>) src(%arg11 : memref<416xf32, #tpu.memory_space<vmem>>) dst(%dma_wait3A_250 : memref<416xf32, #tpu.memory_space<hbm>>)
        tpu.yield
      }) : () -> ()
    } else {
    }
    return
  }
}

module attributes {stable_mosaic.version = 14 : i64} {
  func.func @_proj_body(%arg0: memref<2048x2048xbf16, #tpu.memory_space<vmem>>, %arg1: memref<2048x2048xbf16, #tpu.memory_space<vmem>>, %arg2: memref<1x2048xf32, #tpu.memory_space<vmem>>, %arg3: memref<2048x2048xf32, #tpu.memory_space<vmem>>) attributes {dimension_semantics = [], scalar_prefetch = 0 : i64, scratch_operands = 0 : i64, tpu.core_type = #tpu.core_type<tc>} {
    %get3A = arith.constant 0 : index
    %get3A_0 = arith.constant 0 : index
    %get3A_1 = vector.load %arg0[%get3A, %get3A_0] : memref<2048x2048xbf16, #tpu.memory_space<vmem>>, vector<2048x2048xbf16>
    %get3A_2 = arith.constant 0 : index
    %get3A_3 = arith.constant 0 : index
    %get3A_4 = vector.load %arg1[%get3A_2, %get3A_3] : memref<2048x2048xbf16, #tpu.memory_space<vmem>>, vector<2048x2048xbf16>
    %dot_general3A = arith.constant dense<0.000000e+00> : vector<2048x2048xf32>
    %dot_general3A_5 = tpu.matmul %get3A_1, %get3A_4, %dot_general3A {dimension_numbers = #tpu.dot_dimension_numbers<[1], [0], [0], [1], [0, 0, 1, 1], [], []>, transpose_lhs_hint = false} : vector<2048x2048xbf16>, vector<2048x2048xbf16>, vector<2048x2048xf32> -> vector<2048x2048xf32>
    %get3A_6 = arith.constant 0 : index
    %get3A_7 = arith.constant 0 : index
    %get3A_8 = vector.load %arg2[%get3A_6, %get3A_7] : memref<1x2048xf32, #tpu.memory_space<vmem>>, vector<1x2048xf32>
    %add3A = vector.broadcast %get3A_8 : vector<1x2048xf32> to vector<2048x2048xf32>
    %add3A_9 = arith.addf %dot_general3A_5, %add3A : vector<2048x2048xf32>
    %mul3A = arith.constant 0.0883883461 : f32
    %mul3A_10 = vector.broadcast %mul3A : f32 to vector<2048x2048xf32>
    %mul3A_11 = arith.mulf %add3A_9, %mul3A_10 : vector<2048x2048xf32>
    %swap3A = arith.constant 0 : index
    %swap3A_12 = arith.constant 0 : index
    %swap3A_13 = vector.load %arg3[%swap3A, %swap3A_12] : memref<2048x2048xf32, #tpu.memory_space<vmem>>, vector<2048x2048xf32>
    tpu.vector_store %arg3[%swap3A, %swap3A_12], %mul3A_11 {strides = array<i32>} : memref<2048x2048xf32, #tpu.memory_space<vmem>>, vector<2048x2048xf32>,
    return
  }
}

module attributes {stable_mosaic.version = 14 : i64} {
  func.func @_proj_heads_body(%arg0: memref<2048x2048xbf16, #tpu.memory_space<vmem>>, %arg1: memref<2048x2048xbf16, #tpu.memory_space<vmem>>, %arg2: memref<1x2048xf32, #tpu.memory_space<vmem>>, %arg3: memref<16x2048x128xf32, #tpu.memory_space<vmem>>) attributes {dimension_semantics = [], scalar_prefetch = 0 : i64, scratch_operands = 0 : i64, tpu.core_type = #tpu.core_type<tc>} {
    %get3A = arith.constant 0 : index
    %get3A_0 = arith.constant 0 : index
    %get3A_1 = vector.load %arg0[%get3A, %get3A_0] : memref<2048x2048xbf16, #tpu.memory_space<vmem>>, vector<2048x2048xbf16>
    %get3A_2 = arith.constant 0 : index
    %get3A_3 = arith.constant 0 : index
    %get3A_4 = vector.load %arg1[%get3A_2, %get3A_3] : memref<2048x2048xbf16, #tpu.memory_space<vmem>>, vector<2048x2048xbf16>
    %dot_general3A = arith.constant dense<0.000000e+00> : vector<2048x2048xf32>
    %dot_general3A_5 = tpu.matmul %get3A_1, %get3A_4, %dot_general3A {dimension_numbers = #tpu.dot_dimension_numbers<[1], [0], [0], [1], [0, 0, 1, 1], [], []>, transpose_lhs_hint = false} : vector<2048x2048xbf16>, vector<2048x2048xbf16>, vector<2048x2048xf32> -> vector<2048x2048xf32>
    %get3A_6 = arith.constant 0 : index
    %get3A_7 = arith.constant 0 : index
    %get3A_8 = vector.load %arg2[%get3A_6, %get3A_7] : memref<1x2048xf32, #tpu.memory_space<vmem>>, vector<1x2048xf32>
    %add3A = vector.broadcast %get3A_8 : vector<1x2048xf32> to vector<2048x2048xf32>
    %add3A_9 = arith.addf %dot_general3A_5, %add3A : vector<2048x2048xf32>
    %slice3A = vector.extract_strided_slice %add3A_9 {offsets = [0, 0], sizes = [2048, 128], strides = [1, 1]} : vector<2048x2048xf32> to vector<2048x128xf32>
    %swap3A = arith.constant 0 : index
    %swap3A_10 = arith.constant 0 : index
    %swap3A_11 = arith.constant 0 : index
    %swap3A_12 = vector.load %arg3[%swap3A, %swap3A_10, %swap3A_11] : memref<16x2048x128xf32, #tpu.memory_space<vmem>>, vector<1x2048x128xf32>
    %swap3A_13 = vector.shape_cast %swap3A_12 : vector<1x2048x128xf32> to vector<2048x128xf32>
    %swap3A_14 = vector.shape_cast %slice3A : vector<2048x128xf32> to vector<1x2048x128xf32>
    tpu.vector_store %arg3[%swap3A, %swap3A_10, %swap3A_11], %swap3A_14 {strides = array<i32>} : memref<16x2048x128xf32, #tpu.memory_space<vmem>>, vector<1x2048x128xf32>,
    %slice3A_15 = vector.extract_strided_slice %add3A_9 {offsets = [0, 128], sizes = [2048, 128], strides = [1, 1]} : vector<2048x2048xf32> to vector<2048x128xf32>
    %swap3A_16 = arith.constant 1 : index
    %swap3A_17 = arith.constant 0 : index
    %swap3A_18 = arith.constant 0 : index
    %swap3A_19 = vector.load %arg3[%swap3A_16, %swap3A_17, %swap3A_18] : memref<16x2048x128xf32, #tpu.memory_space<vmem>>, vector<1x2048x128xf32>
    %swap3A_20 = vector.shape_cast %swap3A_19 : vector<1x2048x128xf32> to vector<2048x128xf32>
    %swap3A_21 = vector.shape_cast %slice3A_15 : vector<2048x128xf32> to vector<1x2048x128xf32>
    tpu.vector_store %arg3[%swap3A_16, %swap3A_17, %swap3A_18], %swap3A_21 {strides = array<i32>} : memref<16x2048x128xf32, #tpu.memory_space<vmem>>, vector<1x2048x128xf32>,
    %slice3A_22 = vector.extract_strided_slice %add3A_9 {offsets = [0, 256], sizes = [2048, 128], strides = [1, 1]} : vector<2048x2048xf32> to vector<2048x128xf32>
    %swap3A_23 = arith.constant 2 : index
    %swap3A_24 = arith.constant 0 : index
    %swap3A_25 = arith.constant 0 : index
    %swap3A_26 = vector.load %arg3[%swap3A_23, %swap3A_24, %swap3A_25] : memref<16x2048x128xf32, #tpu.memory_space<vmem>>, vector<1x2048x128xf32>
    %swap3A_27 = vector.shape_cast %swap3A_26 : vector<1x2048x128xf32> to vector<2048x128xf32>
    %swap3A_28 = vector.shape_cast %slice3A_22 : vector<2048x128xf32> to vector<1x2048x128xf32>
    tpu.vector_store %arg3[%swap3A_23, %swap3A_24, %swap3A_25], %swap3A_28 {strides = array<i32>} : memref<16x2048x128xf32, #tpu.memory_space<vmem>>, vector<1x2048x128xf32>,
    %slice3A_29 = vector.extract_strided_slice %add3A_9 {offsets = [0, 384], sizes = [2048, 128], strides = [1, 1]} : vector<2048x2048xf32> to vector<2048x128xf32>
    %swap3A_30 = arith.constant 3 : index
    %swap3A_31 = arith.constant 0 : index
    %swap3A_32 = arith.constant 0 : index
    %swap3A_33 = vector.load %arg3[%swap3A_30, %swap3A_31, %swap3A_32] : memref<16x2048x128xf32, #tpu.memory_space<vmem>>, vector<1x2048x128xf32>
    %swap3A_34 = vector.shape_cast %swap3A_33 : vector<1x2048x128xf32> to vector<2048x128xf32>
    %swap3A_35 = vector.shape_cast %slice3A_29 : vector<2048x128xf32> to vector<1x2048x128xf32>
    tpu.vector_store %arg3[%swap3A_30, %swap3A_31, %swap3A_32], %swap3A_35 {strides = array<i32>} : memref<16x2048x128xf32, #tpu.memory_space<vmem>>, vector<1x2048x128xf32>,
    %slice3A_36 = vector.extract_strided_slice %add3A_9 {offsets = [0, 512], sizes = [2048, 128], strides = [1, 1]} : vector<2048x2048xf32> to vector<2048x128xf32>
    %swap3A_37 = arith.constant 4 : index
    %swap3A_38 = arith.constant 0 : index
    %swap3A_39 = arith.constant 0 : index
    %swap3A_40 = vector.load %arg3[%swap3A_37, %swap3A_38, %swap3A_39] : memref<16x2048x128xf32, #tpu.memory_space<vmem>>, vector<1x2048x128xf32>
    %swap3A_41 = vector.shape_cast %swap3A_40 : vector<1x2048x128xf32> to vector<2048x128xf32>
    %swap3A_42 = vector.shape_cast %slice3A_36 : vector<2048x128xf32> to vector<1x2048x128xf32>
    tpu.vector_store %arg3[%swap3A_37, %swap3A_38, %swap3A_39], %swap3A_42 {strides = array<i32>} : memref<16x2048x128xf32, #tpu.memory_space<vmem>>, vector<1x2048x128xf32>,
    %slice3A_43 = vector.extract_strided_slice %add3A_9 {offsets = [0, 640], sizes = [2048, 128], strides = [1, 1]} : vector<2048x2048xf32> to vector<2048x128xf32>
    %swap3A_44 = arith.constant 5 : index
    %swap3A_45 = arith.constant 0 : index
    %swap3A_46 = arith.constant 0 : index
    %swap3A_47 = vector.load %arg3[%swap3A_44, %swap3A_45, %swap3A_46] : memref<16x2048x128xf32, #tpu.memory_space<vmem>>, vector<1x2048x128xf32>
    %swap3A_48 = vector.shape_cast %swap3A_47 : vector<1x2048x128xf32> to vector<2048x128xf32>
    %swap3A_49 = vector.shape_cast %slice3A_43 : vector<2048x128xf32> to vector<1x2048x128xf32>
    tpu.vector_store %arg3[%swap3A_44, %swap3A_45, %swap3A_46], %swap3A_49 {strides = array<i32>} : memref<16x2048x128xf32, #tpu.memory_space<vmem>>, vector<1x2048x128xf32>,
    %slice3A_50 = vector.extract_strided_slice %add3A_9 {offsets = [0, 768], sizes = [2048, 128], strides = [1, 1]} : vector<2048x2048xf32> to vector<2048x128xf32>
    %swap3A_51 = arith.constant 6 : index
    %swap3A_52 = arith.constant 0 : index
    %swap3A_53 = arith.constant 0 : index
    %swap3A_54 = vector.load %arg3[%swap3A_51, %swap3A_52, %swap3A_53] : memref<16x2048x128xf32, #tpu.memory_space<vmem>>, vector<1x2048x128xf32>
    %swap3A_55 = vector.shape_cast %swap3A_54 : vector<1x2048x128xf32> to vector<2048x128xf32>
    %swap3A_56 = vector.shape_cast %slice3A_50 : vector<2048x128xf32> to vector<1x2048x128xf32>
    tpu.vector_store %arg3[%swap3A_51, %swap3A_52, %swap3A_53], %swap3A_56 {strides = array<i32>} : memref<16x2048x128xf32, #tpu.memory_space<vmem>>, vector<1x2048x128xf32>,
    %slice3A_57 = vector.extract_strided_slice %add3A_9 {offsets = [0, 896], sizes = [2048, 128], strides = [1, 1]} : vector<2048x2048xf32> to vector<2048x128xf32>
    %swap3A_58 = arith.constant 7 : index
    %swap3A_59 = arith.constant 0 : index
    %swap3A_60 = arith.constant 0 : index
    %swap3A_61 = vector.load %arg3[%swap3A_58, %swap3A_59, %swap3A_60] : memref<16x2048x128xf32, #tpu.memory_space<vmem>>, vector<1x2048x128xf32>
    %swap3A_62 = vector.shape_cast %swap3A_61 : vector<1x2048x128xf32> to vector<2048x128xf32>
    %swap3A_63 = vector.shape_cast %slice3A_57 : vector<2048x128xf32> to vector<1x2048x128xf32>
    tpu.vector_store %arg3[%swap3A_58, %swap3A_59, %swap3A_60], %swap3A_63 {strides = array<i32>} : memref<16x2048x128xf32, #tpu.memory_space<vmem>>, vector<1x2048x128xf32>,
    %slice3A_64 = vector.extract_strided_slice %add3A_9 {offsets = [0, 1024], sizes = [2048, 128], strides = [1, 1]} : vector<2048x2048xf32> to vector<2048x128xf32>
    %swap3A_65 = arith.constant 8 : index
    %swap3A_66 = arith.constant 0 : index
    %swap3A_67 = arith.constant 0 : index
    %swap3A_68 = vector.load %arg3[%swap3A_65, %swap3A_66, %swap3A_67] : memref<16x2048x128xf32, #tpu.memory_space<vmem>>, vector<1x2048x128xf32>
    %swap3A_69 = vector.shape_cast %swap3A_68 : vector<1x2048x128xf32> to vector<2048x128xf32>
    %swap3A_70 = vector.shape_cast %slice3A_64 : vector<2048x128xf32> to vector<1x2048x128xf32>
    tpu.vector_store %arg3[%swap3A_65, %swap3A_66, %swap3A_67], %swap3A_70 {strides = array<i32>} : memref<16x2048x128xf32, #tpu.memory_space<vmem>>, vector<1x2048x128xf32>,
    %slice3A_71 = vector.extract_strided_slice %add3A_9 {offsets = [0, 1152], sizes = [2048, 128], strides = [1, 1]} : vector<2048x2048xf32> to vector<2048x128xf32>
    %swap3A_72 = arith.constant 9 : index
    %swap3A_73 = arith.constant 0 : index
    %swap3A_74 = arith.constant 0 : index
    %swap3A_75 = vector.load %arg3[%swap3A_72, %swap3A_73, %swap3A_74] : memref<16x2048x128xf32, #tpu.memory_space<vmem>>, vector<1x2048x128xf32>
    %swap3A_76 = vector.shape_cast %swap3A_75 : vector<1x2048x128xf32> to vector<2048x128xf32>
    %swap3A_77 = vector.shape_cast %slice3A_71 : vector<2048x128xf32> to vector<1x2048x128xf32>
    tpu.vector_store %arg3[%swap3A_72, %swap3A_73, %swap3A_74], %swap3A_77 {strides = array<i32>} : memref<16x2048x128xf32, #tpu.memory_space<vmem>>, vector<1x2048x128xf32>,
    %slice3A_78 = vector.extract_strided_slice %add3A_9 {offsets = [0, 1280], sizes = [2048, 128], strides = [1, 1]} : vector<2048x2048xf32> to vector<2048x128xf32>
    %swap3A_79 = arith.constant 10 : index
    %swap3A_80 = arith.constant 0 : index
    %swap3A_81 = arith.constant 0 : index
    %swap3A_82 = vector.load %arg3[%swap3A_79, %swap3A_80, %swap3A_81] : memref<16x2048x128xf32, #tpu.memory_space<vmem>>, vector<1x2048x128xf32>
    %swap3A_83 = vector.shape_cast %swap3A_82 : vector<1x2048x128xf32> to vector<2048x128xf32>
    %swap3A_84 = vector.shape_cast %slice3A_78 : vector<2048x128xf32> to vector<1x2048x128xf32>
    tpu.vector_store %arg3[%swap3A_79, %swap3A_80, %swap3A_81], %swap3A_84 {strides = array<i32>} : memref<16x2048x128xf32, #tpu.memory_space<vmem>>, vector<1x2048x128xf32>,
    %slice3A_85 = vector.extract_strided_slice %add3A_9 {offsets = [0, 1408], sizes = [2048, 128], strides = [1, 1]} : vector<2048x2048xf32> to vector<2048x128xf32>
    %swap3A_86 = arith.constant 11 : index
    %swap3A_87 = arith.constant 0 : index
    %swap3A_88 = arith.constant 0 : index
    %swap3A_89 = vector.load %arg3[%swap3A_86, %swap3A_87, %swap3A_88] : memref<16x2048x128xf32, #tpu.memory_space<vmem>>, vector<1x2048x128xf32>
    %swap3A_90 = vector.shape_cast %swap3A_89 : vector<1x2048x128xf32> to vector<2048x128xf32>
    %swap3A_91 = vector.shape_cast %slice3A_85 : vector<2048x128xf32> to vector<1x2048x128xf32>
    tpu.vector_store %arg3[%swap3A_86, %swap3A_87, %swap3A_88], %swap3A_91 {strides = array<i32>} : memref<16x2048x128xf32, #tpu.memory_space<vmem>>, vector<1x2048x128xf32>,
    %slice3A_92 = vector.extract_strided_slice %add3A_9 {offsets = [0, 1536], sizes = [2048, 128], strides = [1, 1]} : vector<2048x2048xf32> to vector<2048x128xf32>
    %swap3A_93 = arith.constant 12 : index
    %swap3A_94 = arith.constant 0 : index
    %swap3A_95 = arith.constant 0 : index
    %swap3A_96 = vector.load %arg3[%swap3A_93, %swap3A_94, %swap3A_95] : memref<16x2048x128xf32, #tpu.memory_space<vmem>>, vector<1x2048x128xf32>
    %swap3A_97 = vector.shape_cast %swap3A_96 : vector<1x2048x128xf32> to vector<2048x128xf32>
    %swap3A_98 = vector.shape_cast %slice3A_92 : vector<2048x128xf32> to vector<1x2048x128xf32>
    tpu.vector_store %arg3[%swap3A_93, %swap3A_94, %swap3A_95], %swap3A_98 {strides = array<i32>} : memref<16x2048x128xf32, #tpu.memory_space<vmem>>, vector<1x2048x128xf32>,
    %slice3A_99 = vector.extract_strided_slice %add3A_9 {offsets = [0, 1664], sizes = [2048, 128], strides = [1, 1]} : vector<2048x2048xf32> to vector<2048x128xf32>
    %swap3A_100 = arith.constant 13 : index
    %swap3A_101 = arith.constant 0 : index
    %swap3A_102 = arith.constant 0 : index
    %swap3A_103 = vector.load %arg3[%swap3A_100, %swap3A_101, %swap3A_102] : memref<16x2048x128xf32, #tpu.memory_space<vmem>>, vector<1x2048x128xf32>
    %swap3A_104 = vector.shape_cast %swap3A_103 : vector<1x2048x128xf32> to vector<2048x128xf32>
    %swap3A_105 = vector.shape_cast %slice3A_99 : vector<2048x128xf32> to vector<1x2048x128xf32>
    tpu.vector_store %arg3[%swap3A_100, %swap3A_101, %swap3A_102], %swap3A_105 {strides = array<i32>} : memref<16x2048x128xf32, #tpu.memory_space<vmem>>, vector<1x2048x128xf32>,
    %slice3A_106 = vector.extract_strided_slice %add3A_9 {offsets = [0, 1792], sizes = [2048, 128], strides = [1, 1]} : vector<2048x2048xf32> to vector<2048x128xf32>
    %swap3A_107 = arith.constant 14 : index
    %swap3A_108 = arith.constant 0 : index
    %swap3A_109 = arith.constant 0 : index
    %swap3A_110 = vector.load %arg3[%swap3A_107, %swap3A_108, %swap3A_109] : memref<16x2048x128xf32, #tpu.memory_space<vmem>>, vector<1x2048x128xf32>
    %swap3A_111 = vector.shape_cast %swap3A_110 : vector<1x2048x128xf32> to vector<2048x128xf32>
    %swap3A_112 = vector.shape_cast %slice3A_106 : vector<2048x128xf32> to vector<1x2048x128xf32>
    tpu.vector_store %arg3[%swap3A_107, %swap3A_108, %swap3A_109], %swap3A_112 {strides = array<i32>} : memref<16x2048x128xf32, #tpu.memory_space<vmem>>, vector<1x2048x128xf32>,
    %slice3A_113 = vector.extract_strided_slice %add3A_9 {offsets = [0, 1920], sizes = [2048, 128], strides = [1, 1]} : vector<2048x2048xf32> to vector<2048x128xf32>
    %swap3A_114 = arith.constant 15 : index
    %swap3A_115 = arith.constant 0 : index
    %swap3A_116 = arith.constant 0 : index
    %swap3A_117 = vector.load %arg3[%swap3A_114, %swap3A_115, %swap3A_116] : memref<16x2048x128xf32, #tpu.memory_space<vmem>>, vector<1x2048x128xf32>
    %swap3A_118 = vector.shape_cast %swap3A_117 : vector<1x2048x128xf32> to vector<2048x128xf32>
    %swap3A_119 = vector.shape_cast %slice3A_113 : vector<2048x128xf32> to vector<1x2048x128xf32>
    tpu.vector_store %arg3[%swap3A_114, %swap3A_115, %swap3A_116], %swap3A_119 {strides = array<i32>} : memref<16x2048x128xf32, #tpu.memory_space<vmem>>, vector<1x2048x128xf32>,
    return
  }
}

module attributes {stable_mosaic.version = 14 : i64} {
  func.func @_attn_body(%arg0: i32, %arg1: memref<2048x128xf32, #tpu.memory_space<vmem>>, %arg2: memref<1x2048x128xf32, #tpu.memory_space<vmem>>, %arg3: memref<1x2048x128xf32, #tpu.memory_space<vmem>>, %arg4: memref<2048x128xf32, #tpu.memory_space<vmem>>, %arg5: memref<1x1x2048xf32, #tpu.memory_space<vmem>>) attributes {dimension_semantics = [#tpu.dimension_semantics<arbitrary>], iteration_bounds = array<i64: 16>, scalar_prefetch = 0 : i64, scratch_operands = 0 : i64, tpu.core_type = #tpu.core_type<tc>, window_params = [{transform_indices = @transform_0, window_bounds = array<i64: 2048, 128>}, {transform_indices = @transform_1, window_bounds = array<i64: 1, 2048, 128>}, {transform_indices = @transform_2, window_bounds = array<i64: 1, 2048, 128>}, {transform_indices = @transform_3, window_bounds = array<i64: 2048, 128>}, {transform_indices = @transform_4, window_bounds = array<i64: 1, 1, 2048>}]} {
    %get3A = arith.constant 0 : index
    %get3A_0 = arith.constant 0 : index
    %get3A_1 = vector.load %arg1[%get3A, %get3A_0] : memref<2048x128xf32, #tpu.memory_space<vmem>>, vector<2048x128xf32>
    %convert_element_type3A = arith.truncf %get3A_1 : vector<2048x128xf32> to vector<2048x128xbf16>
    %get3A_2 = arith.constant 0 : index
    %get3A_3 = arith.constant 0 : index
    %get3A_4 = arith.constant 0 : index
    %get3A_5 = vector.load %arg2[%get3A_2, %get3A_3, %get3A_4] : memref<1x2048x128xf32, #tpu.memory_space<vmem>>, vector<1x2048x128xf32>
    %get3A_6 = vector.shape_cast %get3A_5 : vector<1x2048x128xf32> to vector<2048x128xf32>
    %convert_element_type3A_7 = arith.truncf %get3A_6 : vector<2048x128xf32> to vector<2048x128xbf16>
    %get3A_8 = arith.constant 0 : index
    %get3A_9 = arith.constant 0 : index
    %get3A_10 = arith.constant 0 : index
    %get3A_11 = vector.load %arg3[%get3A_8, %get3A_9, %get3A_10] : memref<1x2048x128xf32, #tpu.memory_space<vmem>>, vector<1x2048x128xf32>
    %get3A_12 = vector.shape_cast %get3A_11 : vector<1x2048x128xf32> to vector<2048x128xf32>
    %convert_element_type3A_13 = arith.truncf %get3A_12 : vector<2048x128xf32> to vector<2048x128xbf16>
    %dot_general3A = arith.constant dense<0.000000e+00> : vector<2048x2048xf32>
    %dot_general3A_14 = tpu.matmul %convert_element_type3A, %convert_element_type3A_7, %dot_general3A {dimension_numbers = #tpu.dot_dimension_numbers<[1], [1], [0], [0], [0, 0, 1, 0], [], []>, transpose_lhs_hint = false} : vector<2048x128xbf16>, vector<2048x128xbf16>, vector<2048x2048xf32> -> vector<2048x2048xf32>
    %iota3A = tpu.iota {dimensions = array<i32: 0>} : vector<2048x2048xi32>
    %iota3A_15 = tpu.iota {dimensions = array<i32: 1>} : vector<2048x2048xi32>
    %gt3A = arith.cmpi sgt, %iota3A_15, %iota3A : vector<2048x2048xi32>
    %jit3A = arith.constant -1.000000e+04 : f32
    %jit3A_16 = arith.constant 0.000000e+00 : f32
    %broadcast_in_dim3A = vector.broadcast %jit3A : f32 to vector<2048x2048xf32>
    %broadcast_in_dim3A_17 = vector.broadcast %jit3A_16 : f32 to vector<2048x2048xf32>
    %select_n3A = arith.select %gt3A, %broadcast_in_dim3A, %broadcast_in_dim3A_17 : vector<2048x2048xi1>, vector<2048x2048xf32>
    %add3A = arith.addf %dot_general3A_14, %select_n3A : vector<2048x2048xf32>
    %reduce_max3A = arith.constant dense<0xFF800000> : vector<2048xf32>
    %reduce_max3A_18 = vector.multi_reduction <maximumf>, %add3A, %reduce_max3A [1] : vector<2048x2048xf32> to vector<2048xf32>
    %broadcast_in_dim3A_19 = vector.shape_cast %reduce_max3A_18 : vector<2048xf32> to vector<2048x1xf32>
    %sub3A = vector.broadcast %broadcast_in_dim3A_19 : vector<2048x1xf32> to vector<2048x2048xf32>
    %sub3A_20 = arith.subf %add3A, %sub3A : vector<2048x2048xf32>
    %exp3A = math.exp %sub3A_20 : vector<2048x2048xf32>
    %reduce_sum3A = arith.constant dense<0.000000e+00> : vector<2048xf32>
    %reduce_sum3A_21 = vector.multi_reduction <add>, %exp3A, %reduce_sum3A [1] : vector<2048x2048xf32> to vector<2048xf32>
    %broadcast_in_dim3A_22 = vector.shape_cast %reduce_sum3A_21 : vector<2048xf32> to vector<2048x1xf32>
    %div3A = vector.broadcast %broadcast_in_dim3A_22 : vector<2048x1xf32> to vector<2048x2048xf32>
    %div3A_23 = arith.divf %exp3A, %div3A : vector<2048x2048xf32>
    %convert_element_type3A_24 = arith.truncf %div3A_23 : vector<2048x2048xf32> to vector<2048x2048xbf16>
    %dot_general3A_25 = arith.constant dense<0.000000e+00> : vector<2048x128xf32>
    %dot_general3A_26 = tpu.matmul %convert_element_type3A_24, %convert_element_type3A_13, %dot_general3A_25 {dimension_numbers = #tpu.dot_dimension_numbers<[1], [0], [0], [1], [0, 0, 1, 1], [], []>, transpose_lhs_hint = false} : vector<2048x2048xbf16>, vector<2048x128xbf16>, vector<2048x128xf32> -> vector<2048x128xf32>
    %swap3A = arith.constant 0 : index
    %swap3A_27 = arith.constant 0 : index
    %swap3A_28 = vector.load %arg4[%swap3A, %swap3A_27] : memref<2048x128xf32, #tpu.memory_space<vmem>>, vector<2048x128xf32>
    tpu.vector_store %arg4[%swap3A, %swap3A_27], %dot_general3A_26 {strides = array<i32>} : memref<2048x128xf32, #tpu.memory_space<vmem>>, vector<2048x128xf32>,
    %reduce_sum3A_29 = arith.constant dense<0.000000e+00> : vector<2048xf32>
    %reduce_sum3A_30 = vector.multi_reduction <add>, %div3A_23, %reduce_sum3A_29 [0] : vector<2048x2048xf32> to vector<2048xf32>
    %broadcast_in_dim3A_31 = vector.shape_cast %reduce_sum3A_30 : vector<2048xf32> to vector<1x2048xf32>
    %swap3A_32 = arith.constant 0 : index
    %swap3A_33 = arith.constant 0 : index
    %swap3A_34 = arith.constant 0 : index
    %swap3A_35 = vector.load %arg5[%swap3A_32, %swap3A_33, %swap3A_34] : memref<1x1x2048xf32, #tpu.memory_space<vmem>>, vector<1x1x2048xf32>
    %swap3A_36 = vector.shape_cast %swap3A_35 : vector<1x1x2048xf32> to vector<1x2048xf32>
    %swap3A_37 = vector.shape_cast %broadcast_in_dim3A_31 : vector<1x2048xf32> to vector<1x1x2048xf32>
    tpu.vector_store %arg5[%swap3A_32, %swap3A_33, %swap3A_34], %swap3A_37 {strides = array<i32>} : memref<1x1x2048xf32, #tpu.memory_space<vmem>>, vector<1x1x2048xf32>,
    return
  }
  func.func @transform_0(%arg0: i32) -> (i32, i32) {
    %c0_i32 = arith.constant 0 : i32
    %c0_i32_0 = arith.constant 0 : i32
    return %c0_i32, %arg0 : i32, i32
  }
  func.func @transform_1(%arg0: i32) -> (i32, i32, i32) {
    %c0_i32 = arith.constant 0 : i32
    %c0_i32_0 = arith.constant 0 : i32
    %c0_i32_1 = arith.constant 0 : i32
    return %arg0, %c0_i32, %c0_i32_0 : i32, i32, i32
  }
  func.func @transform_2(%arg0: i32) -> (i32, i32, i32) {
    %c0_i32 = arith.constant 0 : i32
    %c0_i32_0 = arith.constant 0 : i32
    %c0_i32_1 = arith.constant 0 : i32
    return %arg0, %c0_i32, %c0_i32_0 : i32, i32, i32
  }
  func.func @transform_3(%arg0: i32) -> (i32, i32) {
    %c0_i32 = arith.constant 0 : i32
    %c0_i32_0 = arith.constant 0 : i32
    return %c0_i32, %arg0 : i32, i32
  }
  func.func @transform_4(%arg0: i32) -> (i32, i32, i32) {
    %c0_i32 = arith.constant 0 : i32
    %c0_i32_0 = arith.constant 0 : i32
    %c0_i32_1 = arith.constant 0 : i32
    return %arg0, %c0_i32, %c0_i32_0 : i32, i32, i32
  }
}

module attributes {stable_mosaic.version = 14 : i64} {
  func.func @_rank_body(%arg0: i32, %arg1: i32, %arg2: memref<1x256x1xf32, #tpu.memory_space<vmem>>, %arg3: memref<1x1x2048xf32, #tpu.memory_space<vmem>>, %arg4: memref<1x1x2048xi32, #tpu.memory_space<vmem>>) attributes {dimension_semantics = [#tpu.dimension_semantics<arbitrary>, #tpu.dimension_semantics<arbitrary>], iteration_bounds = array<i64: 16, 8>, scalar_prefetch = 0 : i64, scratch_operands = 0 : i64, tpu.core_type = #tpu.core_type<tc>, window_params = [{transform_indices = @transform_0, window_bounds = array<i64: 1, 256, 1>}, {transform_indices = @transform_1, window_bounds = array<i64: 1, 1, 2048>}, {transform_indices = @transform_2, window_bounds = array<i64: 1, 1, 2048>}]} {
    %get3A = arith.constant 0 : index
    %get3A_0 = arith.constant 0 : index
    %get3A_1 = arith.constant 0 : index
    %get3A_2 = vector.load %arg2[%get3A, %get3A_0, %get3A_1] : memref<1x256x1xf32, #tpu.memory_space<vmem>>, vector<1x256x1xf32>
    %get3A_3 = vector.shape_cast %get3A_2 : vector<1x256x1xf32> to vector<256x1xf32>
    %get3A_4 = arith.constant 0 : index
    %get3A_5 = arith.constant 0 : index
    %get3A_6 = arith.constant 0 : index
    %get3A_7 = vector.load %arg3[%get3A_4, %get3A_5, %get3A_6] : memref<1x1x2048xf32, #tpu.memory_space<vmem>>, vector<1x1x2048xf32>
    %get3A_8 = vector.shape_cast %get3A_7 : vector<1x1x2048xf32> to vector<1x2048xf32>
    %iota3A = tpu.iota {dimensions = array<i32: 0>} : vector<256x2048xi32>
    %mul3A = arith.constant 256 : i32
    %mul3A_9 = arith.muli %arg1, %mul3A : i32
    %add3A = vector.broadcast %mul3A_9 : i32 to vector<256x2048xi32>
    %add3A_10 = arith.addi %iota3A, %add3A : vector<256x2048xi32>
    %iota3A_11 = tpu.iota {dimensions = array<i32: 1>} : vector<256x2048xi32>
    %gt3A = vector.broadcast %get3A_3 : vector<256x1xf32> to vector<256x2048xf32>
    %gt3A_12 = vector.broadcast %get3A_8 : vector<1x2048xf32> to vector<256x2048xf32>
    %gt3A_13 = arith.cmpf ogt, %gt3A, %gt3A_12 : vector<256x2048xf32>
    %eq3A = vector.broadcast %get3A_3 : vector<256x1xf32> to vector<256x2048xf32>
    %eq3A_14 = vector.broadcast %get3A_8 : vector<1x2048xf32> to vector<256x2048xf32>
    %eq3A_15 = arith.cmpf oeq, %eq3A, %eq3A_14 : vector<256x2048xf32>
    %lt3A = arith.cmpi slt, %add3A_10, %iota3A_11 : vector<256x2048xi32>
    %and3A = arith.andi %eq3A_15, %lt3A : vector<256x2048xi1>
    %or3A = arith.ori %gt3A_13, %and3A : vector<256x2048xi1>
    %convert_element_type3A = arith.extui %or3A : vector<256x2048xi1> to vector<256x2048xi32>
    %reduce_sum3A = arith.constant dense<0> : vector<2048xi32>
    %reduce_sum3A_16 = vector.multi_reduction <add>, %convert_element_type3A, %reduce_sum3A [0] : vector<256x2048xi32> to vector<2048xi32>
    %broadcast_in_dim3A = vector.shape_cast %reduce_sum3A_16 : vector<2048xi32> to vector<1x2048xi32>
    %eq3A_17 = arith.constant 0 : i32
    %eq3A_18 = arith.cmpi eq, %arg1, %eq3A_17 : i32
    %convert_element_type3A_19 = arith.extui %eq3A_18 : i1 to i32
    %cond3A = arith.constant 0 : i32
    %cond3A_20 = arith.cmpi ne, %convert_element_type3A_19, %cond3A : i32
    scf.if %cond3A_20 {
      %swap3A = arith.constant 0 : index
      %swap3A_26 = arith.constant 0 : index
      %swap3A_27 = arith.constant 0 : index
      %swap3A_28 = vector.load %arg4[%swap3A, %swap3A_26, %swap3A_27] : memref<1x1x2048xi32, #tpu.memory_space<vmem>>, vector<1x1x2048xi32>
      %swap3A_29 = vector.shape_cast %swap3A_28 : vector<1x1x2048xi32> to vector<1x2048xi32>
      %swap3A_30 = vector.shape_cast %broadcast_in_dim3A : vector<1x2048xi32> to vector<1x1x2048xi32>
      tpu.vector_store %arg4[%swap3A, %swap3A_26, %swap3A_27], %swap3A_30 {strides = array<i32>} : memref<1x1x2048xi32, #tpu.memory_space<vmem>>, vector<1x1x2048xi32>,
    } else {
    }
    %gt3A_21 = arith.constant 0 : i32
    %gt3A_22 = arith.cmpi sgt, %arg1, %gt3A_21 : i32
    %convert_element_type3A_23 = arith.extui %gt3A_22 : i1 to i32
    %cond3A_24 = arith.constant 0 : i32
    %cond3A_25 = arith.cmpi ne, %convert_element_type3A_23, %cond3A_24 : i32
    scf.if %cond3A_25 {
      %get3A_26 = arith.constant 0 : index
      %get3A_27 = arith.constant 0 : index
      %get3A_28 = arith.constant 0 : index
      %get3A_29 = vector.load %arg4[%get3A_26, %get3A_27, %get3A_28] : memref<1x1x2048xi32, #tpu.memory_space<vmem>>, vector<1x1x2048xi32>
      %get3A_30 = vector.shape_cast %get3A_29 : vector<1x1x2048xi32> to vector<1x2048xi32>
      %add3A_31 = arith.addi %get3A_30, %broadcast_in_dim3A : vector<1x2048xi32>
      %swap3A = arith.constant 0 : index
      %swap3A_32 = arith.constant 0 : index
      %swap3A_33 = arith.constant 0 : index
      %swap3A_34 = vector.load %arg4[%swap3A, %swap3A_32, %swap3A_33] : memref<1x1x2048xi32, #tpu.memory_space<vmem>>, vector<1x1x2048xi32>
      %swap3A_35 = vector.shape_cast %swap3A_34 : vector<1x1x2048xi32> to vector<1x2048xi32>
      %swap3A_36 = vector.shape_cast %add3A_31 : vector<1x2048xi32> to vector<1x1x2048xi32>
      tpu.vector_store %arg4[%swap3A, %swap3A_32, %swap3A_33], %swap3A_36 {strides = array<i32>} : memref<1x1x2048xi32, #tpu.memory_space<vmem>>, vector<1x1x2048xi32>,
    } else {
    }
    return
  }
  func.func @transform_0(%arg0: i32, %arg1: i32) -> (i32, i32, i32) {
    %c0_i32 = arith.constant 0 : i32
    %c0_i32_0 = arith.constant 0 : i32
    return %arg0, %arg1, %c0_i32 : i32, i32, i32
  }
  func.func @transform_1(%arg0: i32, %arg1: i32) -> (i32, i32, i32) {
    %c0_i32 = arith.constant 0 : i32
    %c0_i32_0 = arith.constant 0 : i32
    %c0_i32_1 = arith.constant 0 : i32
    return %arg0, %c0_i32, %c0_i32_0 : i32, i32, i32
  }
  func.func @transform_2(%arg0: i32, %arg1: i32) -> (i32, i32, i32) {
    %c0_i32 = arith.constant 0 : i32
    %c0_i32_0 = arith.constant 0 : i32
    %c0_i32_1 = arith.constant 0 : i32
    return %arg0, %c0_i32, %c0_i32_0 : i32, i32, i32
  }
}

module attributes {stable_mosaic.version = 14 : i64} {
  func.func @_oproj_body(%arg0: i32, %arg1: memref<256x2048xf32, #tpu.memory_space<vmem>>, %arg2: memref<2048x2048xf32, #tpu.memory_space<vmem>>, %arg3: memref<1x2048xf32, #tpu.memory_space<vmem>>, %arg4: memref<256x2048xf32, #tpu.memory_space<vmem>>) attributes {dimension_semantics = [#tpu.dimension_semantics<arbitrary>], iteration_bounds = array<i64: 8>, scalar_prefetch = 0 : i64, scratch_operands = 0 : i64, tpu.core_type = #tpu.core_type<tc>, window_params = [{transform_indices = @transform_0, window_bounds = array<i64: 256, 2048>}, {pipeline_mode = #tpu.pipeline_mode<synchronous>, transform_indices = @transform_1, window_bounds = array<i64: 2048, 2048>}, {pipeline_mode = #tpu.pipeline_mode<synchronous>, transform_indices = @transform_2, window_bounds = array<i64: 1, 2048>}, {transform_indices = @transform_3, window_bounds = array<i64: 256, 2048>}]} {
    %get3A = arith.constant 0 : index
    %get3A_0 = arith.constant 0 : index
    %get3A_1 = vector.load %arg1[%get3A, %get3A_0] : memref<256x2048xf32, #tpu.memory_space<vmem>>, vector<256x2048xf32>
    %convert_element_type3A = arith.truncf %get3A_1 : vector<256x2048xf32> to vector<256x2048xbf16>
    %get3A_2 = arith.constant 0 : index
    %get3A_3 = arith.constant 0 : index
    %get3A_4 = vector.load %arg2[%get3A_2, %get3A_3] : memref<2048x2048xf32, #tpu.memory_space<vmem>>, vector<2048x2048xf32>
    %convert_element_type3A_5 = arith.truncf %get3A_4 : vector<2048x2048xf32> to vector<2048x2048xbf16>
    %dot_general3A = arith.constant dense<0.000000e+00> : vector<256x2048xf32>
    %dot_general3A_6 = tpu.matmul %convert_element_type3A, %convert_element_type3A_5, %dot_general3A {dimension_numbers = #tpu.dot_dimension_numbers<[1], [0], [0], [1], [0, 0, 1, 1], [], []>, transpose_lhs_hint = false} : vector<256x2048xbf16>, vector<2048x2048xbf16>, vector<256x2048xf32> -> vector<256x2048xf32>
    %get3A_7 = arith.constant 0 : index
    %get3A_8 = arith.constant 0 : index
    %get3A_9 = vector.load %arg3[%get3A_7, %get3A_8] : memref<1x2048xf32, #tpu.memory_space<vmem>>, vector<1x2048xf32>
    %add3A = vector.broadcast %get3A_9 : vector<1x2048xf32> to vector<256x2048xf32>
    %add3A_10 = arith.addf %dot_general3A_6, %add3A : vector<256x2048xf32>
    %swap3A = arith.constant 0 : index
    %swap3A_11 = arith.constant 0 : index
    %swap3A_12 = vector.load %arg4[%swap3A, %swap3A_11] : memref<256x2048xf32, #tpu.memory_space<vmem>>, vector<256x2048xf32>
    tpu.vector_store %arg4[%swap3A, %swap3A_11], %add3A_10 {strides = array<i32>} : memref<256x2048xf32, #tpu.memory_space<vmem>>, vector<256x2048xf32>,
    return
  }
  func.func @transform_0(%arg0: i32) -> (i32, i32) {
    %c0_i32 = arith.constant 0 : i32
    %c0_i32_0 = arith.constant 0 : i32
    return %arg0, %c0_i32 : i32, i32
  }
  func.func @transform_1(%arg0: i32) -> (i32, i32) {
    %c0_i32 = arith.constant 0 : i32
    %c0_i32_0 = arith.constant 0 : i32
    %c0_i32_1 = arith.constant 0 : i32
    return %c0_i32, %c0_i32_0 : i32, i32
  }
  func.func @transform_2(%arg0: i32) -> (i32, i32) {
    %c0_i32 = arith.constant 0 : i32
    %c0_i32_0 = arith.constant 0 : i32
    %c0_i32_1 = arith.constant 0 : i32
    return %c0_i32, %c0_i32_0 : i32, i32
  }
  func.func @transform_3(%arg0: i32) -> (i32, i32) {
    %c0_i32 = arith.constant 0 : i32
    %c0_i32_0 = arith.constant 0 : i32
    return %arg0, %c0_i32 : i32, i32
  }
}

</mosaic_0001>

<sc_bundles>
// kernel: kernel.9.cloned.1.call-start
scs
__scs_entry_jumppad:
0x0: {  	(pc) =	sbr.rel $0x88, $3  }
0x1: {  	(tag) =	ssettag $0x0;
	lr =	simm.s32 $0x1  }
0x2: {  	[smem:$0x3F98] =	sst lr;
	_ =	strace $0xD0000000  }
0x3: {  	_ = 	snop  }
0x4: {  	_ = 	snop  }
0x5: {  	_ = 	snop  }
0x6: {  	_ = 	snop  }
0x7: {  	_ = 	snop  }
__scs_overlays_trampoline_lowered:
0x8: {  	[smem:$0x3FA7] =	sst s0  }
0x9: {  	[smem:$0x3FA8] =	sst s1  }
0xa: {  	[smem:$0x3FA9] =	sst s2  }
0xb: {  	[smem:$0x3FAA] =	sst s3  }
0xc: {  	[smem:$0x3FAB] =	sst s4  }
0xd: {  	[smem:$0x3FAC] =	sst s5  }
0xe: {  	[smem:$0x3FAD] =	sst s6  }
0xf: {  	[smem:$0x3FAE] =	sst s7  }
0x10: {  	[smem:$0x3FAF] =	sst s8  }
0x11: {  	[smem:$0x3FB0] =	sst s9;
	s0 =	simm.s32 @!p0 $0x0  }
0x12: {  	s1 =	sld [smem:$0x3F96];
	s0 =	simm.s32 @p0 $0x1  }
0x13: {  	[smem:$0x3FB1] =	sst s0;
	s0 =	simm.s32 @!p1 $0x0  }
0x14: {  	s2 =	sld [smem:$0x3F95];
	s0 =	simm.s32 @p1 $0x1  }
0x15: {  	[smem:$0x3FB2] =	sst s0;
	s0 =	simm.s32 @!p2 $0x0  }
0x16: {  	s3 =	sld [smem:$0x3FDB];
	s0 =	simm.s32 @p2 $0x1  }
0x17: {  	s4 =	simm.s32 $0x1BF5;
	[smem:$0x3FB4] =	sst s0  }
0x18: {  	s0 =	sld [smem:$0x3F97];
	_ =	swait.ge [sflag:s4], $0x0  }
0x19: {  	s7 =	sld [smem:$0x3F98]  }
0x1a: {  	s8 =	sadd.s32 $0xFFFFE003, lr  }
0x1b: {  	s9 =	sadd.s32 $0xFFFFFEF7, lr;
	s5 =	simm.s32 $0xFFFFFFFF;
	p2 =	slt.u32 s8, $0xFFFFF086  }
0x1c: {  	p1 =	slt.u32 s9, $0xF7A;
	s5 =	simm.s32 @!p2 $0x0  }
0x1d: {  	s5 =	simm.s32 @p1 $0x1;
	p0 =	seq.s32 s7, s2  }
0x1e: {  	s7 =	smul.u32 @!p0 $0xF7A, s2;
	p2 =	seq.s32 @!p0 s5, $0x0  }
0x1f: {  	s9 =	smul.u32 $0xF7A, s1;
	s8 =	simm.s32 @!p0 $0x1BF5;
	p2 =	por !p2, p0  }
0x20: {  	[sflag:s8] =	ssyncset.s32 @!p0 $0xFFFFF086;
	s6 =	sadd.s32 @!p0 s3, s7;
	s7 =	simm.s32 @!p0 $0x108  }
0x21: {  	s3 =	sadd.s32 s3, s9;
	s6 =	sadd.s32 @!p0 $0x88, s6;
	s7 =	simm.s32 @p2 $0x1082  }
0x22: {  	[simem:s7], [sflag:s8] =	dma.local @!p0 [hbm:s6], $0xF7A  }
0x23: {  	s9 =	sor.u32 $0xD0000000, s2;
	s6 =	simm.s32 $0x108;
	_ =	swait.ge @!p0 [sflag:s8], $0x0  }
0x24: {  	s3 =	sadd.s32 $0x88, s3;
	s6 =	simm.s32 @!p1 $0x1082;
	[sflag:s4] =	ssyncset.s32 $0xFFFFF086  }
0x25: {  	[simem:s6], [sflag:s4] =	dma.local [hbm:s3], $0xF7A  }
0x26: {  	[smem:$0x3F98] =	sst s1;
	(tag) =	ssettag s2;
	_ =	strace s9  }
0x27: {  	s1 =	sld [smem:$0x3FA8]  }
0x28: {  	s2 =	sld [smem:$0x3FA9]  }
0x29: {  	s4 =	sld [smem:$0x3FAB]  }
0x2a: {  	p0 =	seq.s32 s5, $0x0;
	s5 =	sld [smem:$0x3FAC]  }
0x2b: {  	s6 =	sld [smem:$0x3FAD]  }
0x2c: {  	s7 =	sld [smem:$0x3FAE]  }
0x2d: {  	s3 =	simm.s32 $0x108;
	s8 =	sld [smem:$0x3FAF]  }
0x2e: {  	s3 =	simm.s32 @!p0 $0x1082;
	s9 =	sld [smem:$0x3FB0]  }
0x2f: {  	lr =	sadd.s32 s0, s3;
	s0 =	sld [smem:$0x3FA7]  }
0x30: {  	s3 =	sld [smem:$0x3FAA]  }
0x31: {  	[smem:$0x3FB3] =	sst s10  }
0x32: {  	s10 =	sld [smem:$0x3FB1];
	_ =	sdelay $0x3  }
0x33: {  	p0 =	seq.s32 s10, $0x1;
	s10 =	sld [smem:$0x3FB3];
	_ =	sdelay $0x3  }
0x34: {  	[smem:$0x3FB3] =	sst s10  }
0x35: {  	s10 =	sld [smem:$0x3FB2];
	_ =	sdelay $0x3  }
0x36: {  	p1 =	seq.s32 s10, $0x1;
	s10 =	sld [smem:$0x3FB3];
	_ =	sdelay $0x3  }
0x37: {  	[smem:$0x3FB3] =	sst s10  }
0x38: {  	s10 =	sld [smem:$0x3FB4]  }
0x39: {  	_ = 	snop;
	(pc) =	sbr.ind lr, $3  }
0x3a: {  	_ = 	snop  }
0x3b: {  	_ = 	snop  }
0x3c: {  	p2 =	seq.s32 s10, $0x1;
	s10 =	sld [smem:$0x3FB3]  }
0x3d: {  	_ =	shalt  }
0x3e: {  	_ =	shalt  }
0x3f: {  	_ =	shalt  }
0x40: {  	_ =	shalt  }
0x41: {  	_ =	shalt  }
0x42: {  	_ =	shalt  }
0x43: {  	_ =	shalt  }
0x44: {  	_ =	shalt  }
0x45: {  	_ =	shalt  }
0x46: {  	_ =	shalt  }
0x47: {  	_ =	shalt  }
0x48: {  	_ =	shalt  }
0x49: {  	_ =	shalt  }
0x4a: {  	_ =	shalt  }
0x4b: {  	_ =	shalt  }
0x4c: {  	_ =	shalt  }
0x4d: {  	_ =	shalt  }
0x4e: {  	_ =	shalt  }
0x4f: {  	_ =	shalt  }
0x50: {  	_ =	shalt  }
0x51: {  	_ =	shalt  }
0x52: {  	_ =	shalt  }
0x53: {  	_ =	shalt  }
0x54: {  	_ =	shalt  }
0x55: {  	_ =	shalt  }
0x56: {  	_ =	shalt  }
0x57: {  	_ =	shalt  }
0x58: {  	_ =	shalt  }
0x59: {  	_ =	shalt  }
0x5a: {  	_ =	shalt  }
0x5b: {  	_ =	shalt  }
0x5c: {  	_ =	shalt  }
0x5d: {  	_ =	shalt  }
0x5e: {  	_ =	shalt  }
0x5f: {  	_ =	shalt  }
0x60: {  	_ =	shalt  }
0x61: {  	_ =	shalt  }
0x62: {  	_ =	shalt  }
0x63: {  	_ =	shalt  }
0x64: {  	_ =	shalt  }
0x65: {  	_ =	shalt  }
0x66: {  	_ =	shalt  }
0x67: {  	_ =	shalt  }
0x68: {  	_ =	shalt  }
0x69: {  	_ =	shalt  }
0x6a: {  	_ =	shalt  }
0x6b: {  	_ =	shalt  }
0x6c: {  	_ =	shalt  }
0x6d: {  	_ =	shalt  }
0x6e: {  	_ =	shalt  }
0x6f: {  	_ =	shalt  }
0x70: {  	_ =	shalt  }
0x71: {  	_ =	shalt  }
0x72: {  	_ =	shalt  }
0x73: {  	_ =	shalt  }
0x74: {  	_ =	shalt  }
0x75: {  	_ =	shalt  }
0x76: {  	_ =	shalt  }
0x77: {  	_ =	shalt  }
0x78: {  	_ =	shalt  }
0x79: {  	_ =	shalt  }
0x7a: {  	_ =	shalt  }
0x7b: {  	_ =	shalt  }
0x7c: {  	_ =	shalt  }
0x7d: {  	_ =	shalt  }
0x7e: {  	_ =	shalt  }
0x7f: {  	_ =	shalt  }
0x80: {  	_ =	shalt  }
0x81: {  	_ =	shalt  }
0x82: {  	_ =	shalt  }
0x83: {  	_ =	shalt  }
0x84: {  	_ =	shalt  }
0x85: {  	_ =	shalt  }
0x86: {  	_ =	shalt  }
0x87: {  	_ =	shalt  }
.Lfunc_end0:
.L_simem_size_0:
called_computation_lowered:
.L_overlay_start_0:
0x88: {  	s2 =	sld [smem:$0x3FD9]  }
0x89: {  	s3 =	sld [smem:$0x3FFE];
	_ =	sdelay $0x1  }
0x8a: {  	s1 =	srdreg.scid  }
0x8b: {  	s0 =	sand.u32 $0x1, s1  }
0x8c: {  	s14 =	sshll.u32 s0, $0xA;
	s2 =	sadd.s32 s3, s2  }
0x8d: {  	s2 =	sadd.s32 s2, s14  }
0x8e: {  	[smem:$0x3FBF] =	sst s2  }
0x8f: {  	_ = 	snop  }
0x90: {  	s2 =	sld [smem:$0x3FD0];
	_ =	sdelay $0x2  }
0x91: {  	s15 =	simm.s32 $0xA;
	s4 =	simm.s32 $0x10  }
0x92: {  	[smem:s4], [sflag:s15] =	dma.local [hbm:s2], $0x1  }
0x93: {  	_ =	swait.eq [sflag:s15], $0x1  }
0x94: {  	s16 =	sld [smem:$0x11];
	[sflag:s15] =	ssyncset.done $0x0  }
0x95: {  	s17 =	sld [smem:$0x12];
	[sflag:s15] =	ssyncadd.s32 $0xFFFFFFFF  }
0x96: {  	s18 =	sld [smem:$0x13];
	(tm) =	ssettm $0x1  }
0x97: {  	s5 =	sld [smem:$0x3FFB];
	_ =	sdelay $0x3  }
0x98: {  	_ =	strace s5  }
0x99: {  	s5 =	sld [smem:$0x3FFC];
	_ =	sdelay $0x3  }
0x9a: {  	_ =	strace s5  }
0x9b: {  	s5 =	sld [smem:$0x3FFD];
	_ =	sdelay $0x3  }
0x9c: {  	_ =	strace s5  }
0x9d: {  	_ =	strace $0x8FFFFFFF  }
0x9e: {  	s19 =	sld [smem:$0x3FDB];
	_ =	sdelay $0x1  }
0x9f: {  	s6 =	simm.s32 $_scs_section_size  }
0xa0: {  	s7 =	simm.s32 $_size__tile_overlayer_lowered;
	s8 =	simm.s32 $_tile_overlayer_lowered  }
0xa1: {  	s22 =	simm.s32 $0x1BFF;
	s21 =	sshll.u32 s8, $0x1;
	s5 =	sadd.s32 s6, s19  }
0xa2: {  	s9 =	simm.s32 $0x0;
	s20 =	sshll.u32 s7, $0x1;
	s7 =	sadd.s32 s21, s5  }
0xa3: {  	[timem:s9], [sflag:s22] =	dma.local [hbm:s7], s20  }
0xa4: {  	_ =	swait.ge [sflag:s22], s20  }
0xa5: {  	s6 =	ssub.s32 $0x0, s20;
	[sflag:s22] =	ssyncset.done $0x0  }
0xa6: {  	[sflag:s22] =	ssyncadd.s32 s6;
	_ =	sdelay $0x1  }
0xa7: {  	s23 =	simm.s32 $0x1B8B  }
0xa8: {  	_ =	swait.ge [sflag:s23], $0x1  }
0xa9: {  	[sflag:s23] =	ssyncset.done $0x0  }
0xaa: {  	s25 =	simm.s32 $0x1B8E;
	s24 =	sld [smem:$0x3FFE];
	[sflag:s23] =	ssyncadd.s32 $0xFFFFFFFF  }
0xab: {  	s26 =	simm.s32 $execute0_lowered;
	[smem:$0x3FD2] =	sst s25  }
0xac: {  	s7 =	sshll.u32 s26, $0x1;
	_ =	strace $0x80000046;
	[dreg:$0x1] =	wrdreg $0xFFFFFFFF  }
0xad: {  	s28 =	simm.s32 $_size_execute0_lowered;
	s5 =	sadd.s32 s5, s7;
	[dreg:$0x0] =	wrdreg $0x0  }
0xae: {  	s7 =	sshll.u32 s28, $0x1;
	[dreg:$0x2] =	wrdreg s5  }
0xaf: {  	[dreg:$0x3] =	wrdreg s7  }
0xb0: {  	[dreg:$0x4] =	wrdreg $0xC0  }
0xb1: {  	_ =	task [dreg:s9], $0x5FFFF  }
0xb2: {  	[dreg:$0x1] =	wrdreg $0xFFFFFFFF  }
0xb3: {  	[dreg:$0x0] =	wrdreg $0x60  }
0xb4: {  	[dreg:$0x2] =	wrdreg s17  }
0xb5: {  	[dreg:$0x3] =	wrdreg s16  }
0xb6: {  	[dreg:$0x4] =	wrdreg s24  }
0xb7: {  	[dreg:$0x5] =	wrdreg s18  }
0xb8: {  	[dreg:$0x6] =	wrdreg $0x9  }
0xb9: {  	_ =	task.clear_ibuf [dreg:s9], $0x7FFFF;
	_ =	strace $0x90000046  }
0xba: {  	s29 =	simm.s32 $0x9;
	_ =	strace $0x80000048  }
0xbb: {  	_ =	swait.ge [sflag:s29], $0x1  }
0xbc: {  	[sflag:s29] =	ssyncadd.s32 $0xFFFFFFFF  }
0xbd: {  	_ =	strace $0x90000048  }
0xbe: {  	_ =	sfence  }
0xbf: {  	s30 =	sld [smem:$0x0];
	_ =	sdelay $0x2  }
0xc0: {  	s31 =	sshll.u32 s1, $0xD;
	s1 =	sshrl.u32 s1, $0x2  }
0xc1: {  	s3 =	sand.u32 $0x4000, s31;
	s1 =	sadd.s32 s1, s30  }
0xc2: {  	s0 =	sor.u32 s3, s0;
	s1 =	sshll.u32 s1, $0x11  }
0xc3: {  	s0 =	sor.u32 s1, s0  }
0xc4: {  	s0 =	sadd.s32 $0x8F2B, s0  }
0xc5: {  	[sflag:s0] =	ssyncadd.remote.s32 $0x1  }
0xc6: {  	_ =	sfence.sel $0xFFFF  }
0xc7: {  	[dreg:$0x0] =	wrdreg $0xFFFFFFFF;
	(pc) =	sbr.abs _section_cstart, $3  }
0xc8: {  	[dreg:$0x1] =	wrdreg $0xFFFFFFFF  }
0xc9: {  	_ =	task.clear_ibuf [dreg:s9], $0x2FFFF;
	_ =	strace $0x9FFFFFFF  }
0xca: {  	(tm) =	ssettm $0x7FFFFFFF  }
0xcb: {  	_ =	shalt  }
tec
execute0_lowered:
.L_overlay_start_1:
0x0: {  	(tag) =	ssettag $0x1  }
0x1: {  	s5 =	rddreg [dreg:$0x0]  }
0x2: {  	s6 =	rddreg [dreg:$0x1]  }
0x3: {  	s1 =	srdreg.scid;
	s10 =	rddreg [dreg:$0x2]  }
0x4: {  	s0 =	stileid.u32;
	s7 =	rddreg [dreg:$0x3]  }
0x5: {  	s3 =	simm.s32 $0x1;
	s2 =	simm.s32 $0x0;
	s13 =	simm.s32 $0x2A00  }
0x6: {  	s14 =	simm.s32 $0x1200;
	s16 =	simm.s32 $0x1400;
	s17 =	simm.s32 $0x1480  }
0x7: {  	s18 =	simm.s32 $0x5480;
	s19 =	simm.s32 $0x9480;
	s20 =	simm.s32 $0x20  }
0x8: {  	s21 =	simm.s32 $0xD480;
	s22 =	simm.s32 $0x0;
	s15 =	sand.u32 $0x1, s1  }
0x9: {  	[smem:$0x7FF] =	sst s2;
	s31 =	sshll.u32 s0, $0x4;
	s1 =	sor.u32 s15, s0  }
0xa: {  	s12 =	sshll.u32 s0, $0x6;
	p1 =	seq.s32 s15, $0x1;
	p0 =	seq.s32 s1, $0x0  }
0xb: {  	s8 =	smul.u32 $0xD0000, s15;
	s29 =	ssub.s32 $0x2, s15;
	p0 =	por !p0, !p1  }
0xc: {  	s12 =	sand.u32 $0x200, s12;
	s1 =	rddreg [dreg:$0x4];
	p0 =	por !p0, !p0  }
0xd: {  	_ =	strace $0x80000047;
	s11 =	sshrl.u32 s29, $0x1;
	s3 =	simm.s32 @!p0 $0x0  }
0xe: {  	p0 =	seq.s32 s15, $0x0;
	s4 =	ssub.s32 s0, s3;
	s3 =	simm.s32 $0x1  }
0xf: {  	s13 =	simm.s32 @!p0 $0x82A00;
	s9 =	smul.u32 $0xD000, s4;
	s4 =	sshll.u32 s4, $0xB  }
0x10: {  	p0 =	sne.s32 s15, $0x0;
	s15 =	simm.s32 $0x80;
	s30 =	sshrl.u32 s4, $0x3  }
0x11: {  	s8 =	sadd.s32 s8, s9;
	s9 =	ssub.s32 s29, s11;
	s5 =	sadd.s32 s5, s30  }
0x12: {  	s6 =	sadd.s32 s6, s30;
	s11 =	sand.u32 $0x70, s31;
	s8 =	sshrl.u32 s8, $0x3  }
0x13: {  	s11 =	sadd.s32 s7, s11;
	s9 =	smax.u32 s9, $0x1;
	s8 =	sadd.s32 s8, s10  }
0x14: {  	s10 =	sadd.s32 s13, s10;
	s13 =	simm.s32 $0x1000;
	s7 =	sadd.s32 $0x102A00, s8  }
0x15: {  	v0 =	vimm.s32 $0x0;
	v1 =	vlaneseq.u32;
	s8 =	sadd.s32 s12, s11;
	s11 =	simm.s32 $0x2;
	s12 =	simm.s32 $0x800  }
.LBB2_1:
0x16: {  	[tilespmem:s2], [sflag:$0x2] =	stream.linear.gather [hbm4b:s5+s2], $0x800, $0x38;
	[tilespmem:$0xE480] =	vst v63  }
0x17: {  	_ =	swait.ge [sflag:s11], $0x800  }
0x18: {  	[sflag:s11] =	ssyncset.done $0x0  }
0x19: {  	[sflag:s11] =	ssyncadd.s32 $0xFFFFF800  }
0x1a: {  	[tilespmem:s12], [sflag:$0x2] =	stream.linear.gather [hbm4b:s6+s2], $0x800, $0x38;
	[tilespmem:$0xE480] =	vst v63  }
0x1b: {  	_ =	swait.ge [sflag:s11], $0x800  }
0x1c: {  	[sflag:s11] =	ssyncset.done $0x0  }
0x1d: {  	[sflag:s11] =	ssyncadd.s32 $0xFFFFF800  }
0x1e: {  	[tilespmem:$0x1000] =	vst v0  }
0x1f: {  	[tilespmem:$0x1010] =	vst v0  }
0x20: {  	[tilespmem:$0x1020] =	vst v0  }
0x21: {  	[tilespmem:$0x1030] =	vst v0  }
0x22: {  	[tilespmem:$0x1040] =	vst v0  }
0x23: {  	[tilespmem:$0x1050] =	vst v0  }
0x24: {  	[tilespmem:$0x1060] =	vst v0  }
0x25: {  	[tilespmem:$0x1070] =	vst v0  }
0x26: {  	[tilespmem:$0x1080] =	vst v0  }
0x27: {  	[tilespmem:$0x1090] =	vst v0  }
0x28: {  	[tilespmem:$0x10A0] =	vst v0  }
0x29: {  	[tilespmem:$0x10B0] =	vst v0  }
0x2a: {  	[tilespmem:$0x10C0] =	vst v0  }
0x2b: {  	[tilespmem:$0x10D0] =	vst v0  }
0x2c: {  	[tilespmem:$0x10E0] =	vst v0  }
0x2d: {  	[tilespmem:$0x10F0] =	vst v0  }
0x2e: {  	[tilespmem:$0x1100] =	vst v0  }
0x2f: {  	[tilespmem:$0x1110] =	vst v0  }
0x30: {  	[tilespmem:$0x1120] =	vst v0  }
0x31: {  	[tilespmem:$0x1130] =	vst v0  }
0x32: {  	[tilespmem:$0x1140] =	vst v0  }
0x33: {  	[tilespmem:$0x1150] =	vst v0  }
0x34: {  	[tilespmem:$0x1160] =	vst v0  }
0x35: {  	[tilespmem:$0x1170] =	vst v0  }
0x36: {  	[tilespmem:$0x1180] =	vst v0  }
0x37: {  	s23 =	simm.s32 $0x0;
	[tilespmem:$0x1190] =	vst v0  }
0x38: {  	v2 =	vld [tilespmem:s23+$0x0];
	_ =	sdelay $0x4  }
0x39: {  	vm0 =	vlt.s32 v2, $0x199  }
0x3a: {  	v2 =	vnsel vm0, $0x199, v2  }
0x3b: {  	v3 =	vld [tilespmem:s23+$0x800];
	_ =	sdelay $0x2  }
0x3c: {  	v4 =	vor.u32 s4, v1  }
0x3d: {  	[tilespmem:v2+s13+$0x0] =	vst.idx.msk $0xffff, v4  }
0x3e: {  	s25 =	simm.s32 $0x10;
	[tilespmem:v2+s14+$0x0] =	vst.idx.msk $0xffff, v3  }
0x3f: {  	s24 =	simm.s32 $0x80;
	s23 =	smov.u32 s4;
	v2 =	vld [tilespmem:s25+$0x0]  }
.LBB2_2:
0x40: {  	p1 =	sne.s32 s24, $0x1FC0;
	_ =	sdelay $0x3  }
0x41: {  	vm0 =	vlt.s32 v2, $0x199  }
0x42: {  	v2 =	vnsel vm0, $0x199, v2  }
0x43: {  	v3 =	vld [tilespmem:s25+$0x800];
	_ =	sdelay $0x1  }
.Ltmp0:
0x44: {  	s23 =	sadd.s32 $0x10, s23;
	(pc) =	sbr.rel @p1 .LBB2_2-.Ltmp0, $4  }
0x45: {  	v4 =	vor.u32 s23, v1  }
0x46: {  	[tilespmem:v2+s13+$0x0] =	vst.idx.msk $0xffff, v4  }
0x47: {  	s25 =	sshra.s32 s24, $0x2;
	[tilespmem:v2+s14+$0x0] =	vst.idx.msk $0xffff, v3  }
0x48: {  	s24 =	sadd.s32 $0x40, s24;
	v2 =	vld [tilespmem:s25+$0x0]  }
0x49: {  	_ =	sdelay $0x3  }
0x4a: {  	vm0 =	vlt.s32 v2, $0x199  }
0x4b: {  	v2 =	vnsel vm0, $0x199, v2  }
0x4c: {  	v3 =	vld [tilespmem:s25+$0x800];
	_ =	sdelay $0x1  }
0x4d: {  	s23 =	sadd.s32 $0x10, s23  }
0x4e: {  	v4 =	vor.u32 s23, v1  }
0x4f: {  	[tilespmem:v2+s13+$0x0] =	vst.idx.msk $0xffff, v4  }
0x50: {  	[tilespmem:v2+s14+$0x0] =	vst.idx.msk $0xffff, v3  }
0x51: {  	v2 =	vld [tilespmem:$0x1000]  }
0x52: {  	v3 =	vld [tilespmem:$0x1010]  }
0x53: {  	v4 =	vld [tilespmem:$0x1020]  }
0x54: {  	v5 =	vld [tilespmem:$0x1030]  }
0x55: {  	v6 =	vld [tilespmem:$0x1040]  }
0x56: {  	v55 =	vld [tilespmem:$0x1070];
	[tilespmem:$0x1400] =	vst v2  }
0x57: {  	v2 =	vld [tilespmem:$0x1050];
	[tilespmem:$0x1410] =	vst v3  }
0x58: {  	v3 =	vld [tilespmem:$0x1060];
	[tilespmem:$0x1420] =	vst v4  }
0x59: {  	[tilespmem:$0x1430] =	vst v5  }
0x5a: {  	[tilespmem:$0x1440] =	vst v6  }
0x5b: {  	[tilespmem:$0x1470] =	vst v55  }
0x5c: {  	[tilespmem:$0x1450] =	vst v2  }
0x5d: {  	[tilespmem:$0x1460] =	vst v3  }
0x5e: {  	[tilespmem:s17], [sflag:$0x1] =	stream.indirect.gather [hbm4b:s10+s15], $0x80, s16, s15, $0xb8;
	[tilespmem:$0xE480] =	vst v63  }
0x5f: {  	_ =	swait.ge [sflag:s3], $0x4000  }
0x60: {  	[sflag:s3] =	ssyncset.done $0x0  }
0x61: {  	[sflag:s3] =	ssyncadd.s32 $0xFFFFC000  }
0x62: {  	v2 =	vld [tilespmem:$0x1080]  }
0x63: {  	v3 =	vld [tilespmem:$0x1090]  }
0x64: {  	v56 =	vld [tilespmem:$0x10A0]  }
0x65: {  	v57 =	vld [tilespmem:$0x10B0]  }
0x66: {  	v58 =	vld [tilespmem:$0x10C0]  }
0x67: {  	v59 =	vld [tilespmem:$0x10F0];
	[tilespmem:$0x1400] =	vst v2  }
0x68: {  	v2 =	vld [tilespmem:$0x10D0];
	[tilespmem:$0x1410] =	vst v3  }
0x69: {  	v3 =	vld [tilespmem:$0x10E0];
	[tilespmem:$0x1420] =	vst v56  }
0x6a: {  	[tilespmem:$0x1430] =	vst v57  }
0x6b: {  	[tilespmem:$0x1440] =	vst v58  }
0x6c: {  	[tilespmem:$0x1470] =	vst v59  }
0x6d: {  	[tilespmem:$0x1450] =	vst v2  }
0x6e: {  	[tilespmem:$0x1460] =	vst v3  }
0x6f: {  	[tilespmem:s18], [sflag:$0x1] =	stream.indirect.gather [hbm4b:s10+s15], $0x80, s16, s15, $0xb8;
	[tilespmem:$0xE480] =	vst v63  }
0x70: {  	_ =	swait.ge [sflag:s3], $0x4000  }
0x71: {  	[sflag:s3] =	ssyncset.done $0x0  }
0x72: {  	[sflag:s3] =	ssyncadd.s32 $0xFFFFC000  }
0x73: {  	v2 =	vld [tilespmem:$0x1100]  }
0x74: {  	v3 =	vld [tilespmem:$0x1110]  }
0x75: {  	v60 =	vld [tilespmem:$0x1120]  }
0x76: {  	v61 =	vld [tilespmem:$0x1130]  }
0x77: {  	v62 =	vld [tilespmem:$0x1140]  }
0x78: {  	v63 =	vld [tilespmem:$0x1170];
	[tilespmem:$0x1400] =	vst v2  }
0x79: {  	v2 =	vld [tilespmem:$0x1150];
	[tilespmem:$0x1410] =	vst v3  }
0x7a: {  	v3 =	vld [tilespmem:$0x1160];
	[tilespmem:$0x1420] =	vst v60  }
0x7b: {  	[tilespmem:$0x1430] =	vst v61  }
0x7c: {  	[tilespmem:$0x1440] =	vst v62  }
0x7d: {  	[tilespmem:$0x1470] =	vst v63  }
0x7e: {  	[tilespmem:$0x1450] =	vst v2  }
0x7f: {  	[tilespmem:$0x1460] =	vst v3  }
0x80: {  	[tilespmem:s19], [sflag:$0x1] =	stream.indirect.gather [hbm4b:s10+s15], $0x80, s16, s15, $0xb8;
	[tilespmem:$0xE480] =	vst v63  }
0x81: {  	_ =	swait.ge [sflag:s3], $0x4000  }
0x82: {  	[sflag:s3] =	ssyncset.done $0x0  }
0x83: {  	[sflag:s3] =	ssyncadd.s32 $0xFFFFC000  }
0x84: {  	v2 =	vld [tilespmem:$0x1180]  }
0x85: {  	v3 =	vld [tilespmem:$0x1190];
	_ =	sdelay $0x3  }
0x86: {  	[tilespmem:$0x1400] =	vst v2  }
0x87: {  	[tilespmem:$0x1410] =	vst v3  }
0x88: {  	[tilespmem:s21], [sflag:$0x1] =	stream.indirect.gather [hbm4b:s10+s20], $0x80, s16, s20, $0xb8;
	[tilespmem:$0xE480] =	vst v63  }
0x89: {  	_ =	swait.ge [sflag:s3], $0x1000  }
0x8a: {  	[sflag:s3] =	ssyncset.done $0x0  }
0x8b: {  	[sflag:s3] =	ssyncadd.s32 $0xFFFFF000  }
0x8c: {  	[hbm4b:s7+s2] =	stream.linear.scatter [tilespmem:s17], [sflag:$0x2], $0xD000, $0x38;
	[tilespmem:$0xE480] =	vst v63  }
0x8d: {  	s24 =	simm.s32 @!p0 $0x400;
	_ =	swait.ge [sflag:s11], $0xD000  }
0x8e: {  	s25 =	simm.s32 @!p0 $0x1200;
	s22 =	sadd.s32 $0x1, s22;
	[sflag:s11] =	ssyncset.done $0x0  }
0x8f: {  	s23 =	simm.s32 @!p0 $0x80;
	p1 =	sne.s32 s22, s9;
	[sflag:s11] =	ssyncadd.s32 $0xFFFF3000  }
0x90: {  	[hbm4b:s8+s23] =	stream.strided.scatter @!p0 [tilespmem:s25], [sflag:$0x2], $0x200, s24, s23, $0x38;
	[tilespmem:$0xE480] =	vst v63  }
.Ltmp1:
0x91: {  	_ = 	snop;
	(pc) =	sbr.rel @p1 .LBB2_1-.Ltmp1, $4  }
0x92: {  	s23 =	simm.s32 @!p0 $0x2  }
0x93: {  	_ =	swait.ge @!p0 [sflag:s23], $0x200  }
0x94: {  	[sflag:s23] =	ssyncset.done @!p0 $0x0  }
0x95: {  	[sflag:s23] =	ssyncadd.s32 @!p0 $0xFFFFFE00  }
0x96: {  	_ =	sfence.sel $0x180000  }
0x97: {  	[bflag:$0x0] =	sbarrier.arrive $0xFFFF  }
0x98: {  	p0 =	sne.s32 s0, $0x0;
	_ =	strace $0x90000047  }
0x99: {  	s0 =	sadd.s32 @!p0 $0x100000, s1;
	[bflag:$0x2] =	sbarrier.arrive $0xFFFF  }
0x9a: {  	[sflag:s0] =	ssyncadd.tile.s32 @!p0 $0x1;
	_ =	shalt  }
.Lfunc_end2:
_tile_overlayer_lowered:
.L_overlay_start_2:
0x9b: {  	(tag) =	ssettag $0x2  }
0x9c: {  	s0 =	rddreg [dreg:$0x0];
	s2 =	stileid.u32  }
0x9d: {  	s1 =	rddreg [dreg:$0x1];
	p0 =	sne.s32 s2, $0x0  }
0x9e: {  	s3 =	rddreg [dreg:$0x2];
	[bflag:$0x3] =	sbarrier.arrive $0xFFFF;
	s2 =	simm.s32 @!p0 $0x1C02  }
0x9f: {  	[timem:s3], [sflag:s2] =	dma.local @!p0 [hbm:s0], s1  }
0xa0: {  	s0 =	simm.s32 @!p0 $0x2  }
0xa1: {  	_ =	swait.ge @!p0 [sflag:s0], s1  }
0xa2: {  	s1 =	ssub.s32 @!p0 $0x0, s1;
	[sflag:s0] =	ssyncset.done @!p0 $0x0  }
0xa3: {  	[sflag:s0] =	ssyncadd.s32 @!p0 s1  }
0xa4: {  	[bflag:$0x3] =	sbarrier.arrive $0xFFFF  }
0xa5: {  	_ =	shalt  }

</sc_bundles>
